<compile_context>
chip_gen: v7x
topology: tpu7x:2x2x1
jax: 0.10.2.dev20260603
libtpu: 0.0.44.dev20260713+nightly
codegen_flags: <defaults>
</compile_context>

<pallas_src>
import functools

import jax
import jax.numpy as jnp
from jax import lax
from jax.experimental import pallas as pl
from jax.experimental.pallas import tpu as pltpu
from jax.experimental.pallas import tpu_sc as plsc

N = 10000
D = 128
H = 4
DH = 32
E = 320000
DE = D + 16

NTILES = 16
ET = E // NTILES
C = 80
NCH = ET // C

PAD_N = 10240
ROWS_T = PAD_N // NTILES
RB = 32
NRB = ROWS_T // RB


_B = 2000
_NB = N // _B


def _prep_body(xs_ref, xd_ref, w_ref, al_ref, ar_ref, brel_ref, loop_ref,
               hb_ref, fs_ref, er_ref, init_ref):
    xs = xs_ref[...]
    xd = xd_ref[...]
    w = w_ref[0]
    wext = jnp.concatenate(
        [w, jnp.dot(w, al_ref[0], preferred_element_type=jnp.float32)], axis=1)
    fs_ref[...] = jnp.dot(xs, wext, preferred_element_type=jnp.float32)
    wr = jnp.dot(w, ar_ref[0], preferred_element_type=jnp.float32)
    er_ref[...] = jnp.dot(xd, wr, preferred_element_type=jnp.float32)
    init_ref[...] = (jnp.dot(xd, loop_ref[...], preferred_element_type=jnp.float32)
                     + hb_ref[...] + brel_ref[0])


def _prep(x_cat, w_cat, al_cat, ar_cat, brel, loop_weight, hb2):
    return pl.pallas_call(
        _prep_body,
        grid=(2, _NB),
        in_specs=[
            pl.BlockSpec((_B, D), lambda r, i: (r * _NB + i, 0)),
            pl.BlockSpec((_B, D), lambda r, i: ((1 - r) * _NB + i, 0)),
            pl.BlockSpec((1, D, D), lambda r, i: (r, 0, 0)),
            pl.BlockSpec((1, D, 16), lambda r, i: (r, 0, 0)),
            pl.BlockSpec((1, D, 16), lambda r, i: (r, 0, 0)),
            pl.BlockSpec((1, 1, D), lambda r, i: (r, 0, 0)),
            pl.BlockSpec((D, D), lambda r, i: (0, 0)),
            pl.BlockSpec((1, D), lambda r, i: (0, 0)),
        ],
        out_specs=[
            pl.BlockSpec((_B, DE), lambda r, i: (r * _NB + i, 0)),
            pl.BlockSpec((_B, 16), lambda r, i: (r * _NB + i, 0)),
            pl.BlockSpec((_B, D), lambda r, i: (r * _NB + i, 0)),
        ],
        out_shape=[
            jax.ShapeDtypeStruct((2 * N, DE), jnp.float32),
            jax.ShapeDtypeStruct((2 * N, 16), jnp.float32),
            jax.ShapeDtypeStruct((2 * N, D), jnp.float32),
        ],
    )(x_cat, x_cat, w_cat, al_cat, ar_cat, brel, loop_weight, hb2)



_mesh = plsc.VectorSubcoreMesh(core_axis_name="c", subcore_axis_name="s")


@functools.partial(
    pl.kernel,
    mesh=_mesh,
    compiler_params=pltpu.CompilerParams(
        needs_layout_passes=False, use_tc_tiling_on_sc=False),
    out_type=jax.ShapeDtypeStruct((2 * PAD_N, D), jnp.float32),
    scratch_types=[
        pltpu.VMEM_SHARED((PAD_N, DE), jnp.float32),
        pltpu.VMEM((C, DE), jnp.float32),
        pltpu.VMEM((C, DE), jnp.float32),
        pltpu.VMEM((C, 16), jnp.float32),
        pltpu.VMEM((C, 16), jnp.float32),
        pltpu.VMEM((C, 16), jnp.float32),
        pltpu.VMEM((C,), jnp.int32),
        pltpu.VMEM((C,), jnp.int32),
        pltpu.VMEM((C,), jnp.int32),
        pltpu.VMEM((C,), jnp.int32),
        pltpu.VMEM((C,), jnp.int32),
        pltpu.VMEM((C,), jnp.int32),
        pltpu.VMEM((RB, DE), jnp.float32),
        pltpu.VMEM((RB, D), jnp.float32),
        pltpu.SemaphoreType.DMA,
        pltpu.SemaphoreType.DMA,
    ],
)
def _edge_kernel(fs_hbm, er_hbm, src_hbm, dst_hbm, init_hbm, out_hbm,
                 acc_sh, fsbA, fsbB, erbA, erbB, eeb, srcvA, srcvB,
                 dstvA, dstvB, dstgA, dstgB, accb, initb, semA, semB):
    r = lax.axis_index("c")
    s = lax.axis_index("s")
    iota16 = lax.iota(jnp.int32, 16)
    zeros16 = jnp.zeros((16,), jnp.float32)

    def _zrow(i, _):
        for j in range(DE // 16):
            fsbA[i, pl.ds(j * 16, 16)] = zeros16
        eeb[i % C, pl.ds(0, 16)] = zeros16
        return 0
    lax.fori_loop(0, C, _zrow, 0)

    base = s * ROWS_T
    for k in range(ROWS_T // C):
        pltpu.sync_copy(fsbA, acc_sh.at[pl.ds(base + k * C, C)])

    plsc.subcore_barrier()

    tbase = r * E + s * ET
    rowoff = r * N

    def _load_and_start(ci, sv, dv, dg, fb, eb, sem):
        off = tbase + ci * C
        pltpu.sync_copy(src_hbm.at[pl.ds(off, C)], sv)
        pltpu.sync_copy(dst_hbm.at[pl.ds(off, C)], dv)

        def _adj(g, _):
            sl = pl.ds(g * 16, 16)
            sv[sl] = sv[sl] + rowoff
            dg[sl] = dv[sl] + rowoff
            return 0
        lax.fori_loop(0, C // 16, _adj, 0)
        pltpu.async_copy(fs_hbm.at[sv], fb, sem)
        pltpu.async_copy(er_hbm.at[dg], eb, sem)

    def _drain(sv, dg, fb, eb, sem):
        pltpu.make_async_copy(fs_hbm.at[sv], fb, sem).wait()
        pltpu.make_async_copy(er_hbm.at[dg], eb, sem).wait()

    def _compute(sv, dv, dg, fb, eb, sem):
        _drain(sv, dg, fb, eb, sem)

        def _grp(g, _):
            rows = g * 16 + iota16
            for h in range(H):
                hv = jnp.full((16,), h, jnp.int32)
                le = plsc.load_gather(fb, [rows, jnp.full((16,), D + h, jnp.int32)])
                re = plsc.load_gather(eb, [rows, hv])
                e = le + re
                e = jnp.where(e > 0.0, e, 0.2 * e)
                plsc.store_scatter(eeb, [rows, hv], jnp.exp(e))
            return 0
        lax.fori_loop(0, C // 16, _grp, 0)

        def _srow(row, _):
            rvec = jnp.full((16,), row, jnp.int32)
            for h in range(H):
                eesp = plsc.load_gather(eeb, [rvec, jnp.full((16,), h, jnp.int32)])
                for jj in range(2):
                    sl = pl.ds((h * 2 + jj) * 16, 16)
                    fb[row, sl] = fb[row, sl] * eesp
            fb[row, pl.ds(D, 16)] = eeb[row, pl.ds(0, 16)]
            return 0
        lax.fori_loop(0, C, _srow, 0)

        pltpu.sync_copy(fb, acc_sh.at[dv], add=True)

    _load_and_start(0, srcvA, dstvA, dstgA, fsbA, erbA, semA)

    def _pair(i, _):
        c0 = 2 * i
        _load_and_start(c0 + 1, srcvB, dstvB, dstgB, fsbB, erbB, semB)
        _compute(srcvA, dstvA, dstgA, fsbA, erbA, semA)
        nxt = lax.select(c0 + 2 < NCH, c0 + 2, 0)
        _load_and_start(nxt, srcvA, dstvA, dstgA, fsbA, erbA, semA)
        _compute(srcvB, dstvB, dstgB, fsbB, erbB, semB)
        return 0
    lax.fori_loop(0, NCH // 2, _pair, 0)
    _drain(srcvA, dstgA, fsbA, erbA, semA)

    plsc.subcore_barrier()

    outoff = (1 - r) * PAD_N

    def _fix(k, _):
        rb0 = base + k * RB
        pltpu.sync_copy(acc_sh.at[pl.ds(rb0, RB)], accb)
        pltpu.sync_copy(init_hbm.at[pl.ds(r * PAD_N + rb0, RB)], initb)

        def _frow(row, _):
            rvec = jnp.full((16,), row, jnp.int32)
            for h in range(H):
                dsp = plsc.load_gather(
                    accb, [rvec, jnp.full((16,), D + h, jnp.int32)])
                dsp = dsp + 1e-9
                for jj in range(2):
                    sl = pl.ds((h * 2 + jj) * 16, 16)
                    initb[row, sl] = accb[row, sl] / dsp + initb[row, sl]
            return 0
        lax.fori_loop(0, RB, _frow, 0)
        pltpu.sync_copy(initb, out_hbm.at[pl.ds(outoff + rb0, RB)])
        return 0
    lax.fori_loop(0, NRB, _fix, 0)




def _expand_attn(a):
    return jnp.zeros((D, 16), jnp.float32).at[
        jnp.arange(D), jnp.arange(D) // DH].set(a.reshape(-1))


def kernel(x_user, x_item, edge_index_r0, edge_index_r1,
           W0, attn_l0, attn_r0, bias0,
           W1, attn_l1, attn_r1, bias1,
           loop_weight, h_bias):
    x_cat = jnp.concatenate([x_user, x_item], axis=0)
    w_cat = jnp.stack([W0, W1])
    al_cat = jnp.stack([_expand_attn(attn_l0), _expand_attn(attn_l1)])
    ar_cat = jnp.stack([_expand_attn(attn_r0), _expand_attn(attn_r1)])
    brel = jnp.stack([bias0, bias1])[:, None, :]
    hb2 = h_bias[None, :]
    src_cat = jnp.concatenate(
        [edge_index_r0[0], edge_index_r1[0]]).astype(jnp.int32)
    dst_cat = jnp.concatenate(
        [edge_index_r0[1], edge_index_r1[1]]).astype(jnp.int32)

    fs_ext, er16, init_cat = _prep(
        x_cat, w_cat, al_cat, ar_cat, brel, loop_weight, hb2)

    init_pad = jnp.pad(init_cat.reshape(2, N, D),
                       ((0, 0), (0, PAD_N - N), (0, 0))).reshape(2 * PAD_N, D)
    out_flat = _edge_kernel(fs_ext, er16, src_cat, dst_cat, init_pad)
    return out_flat.reshape(2, PAD_N, D)[:, :N, :]

# --- scband reference (transcript-rebuilt; emitter-appended) ---
"""Pipeline reference for scband-nshelayer-39883066310767 (READ-ONLY COPY).

The authoritative reference and input builder live on the scoring server;
editing this copy changes nothing except your own understanding.
"""

import jax, jax.numpy as jnp
import numpy as np

N_USER = 10000
N_ITEM = 10000
E = 320000
D = 128
H = 4
DH = 32  # out_feat // num_heads


def _xavier(k, shape, fan_in, fan_out, gain):
    b = gain * np.sqrt(6.0 / (fan_in + fan_out))
    return jax.random.uniform(k, shape, jnp.float32, -b, b)


def setup_inputs(seed: int = 0) -> dict:
    key = jax.random.key(seed)
    ks = jax.random.split(key, 16)
    gain = float(np.sqrt(2.0))
    inp = {}
    inp['x_user'] = jax.random.normal(ks[0], (N_USER, D), dtype=jnp.float32)
    inp['x_item'] = jax.random.normal(ks[1], (N_ITEM, D), dtype=jnp.float32)
    # relation r0: user -> item ; relation r1: item -> user
    inp['edge_index_r0'] = jax.random.randint(ks[2], (2, E), 0, N_ITEM)
    inp['edge_index_r1'] = jax.random.randint(ks[3], (2, E), 0, N_USER)
    # GATConv params per relation
    inp['W0'] = _xavier(ks[4], (D, H * DH), D, H * DH, gain)
    inp['attn_l0'] = _xavier(ks[5], (H, DH), DH, 1, gain)
    inp['attn_r0'] = _xavier(ks[6], (H, DH), DH, 1, gain)
    inp['bias0'] = jnp.zeros((H * DH,), dtype=jnp.float32)
    inp['W1'] = _xavier(ks[7], (D, H * DH), D, H * DH, gain)
    inp['attn_l1'] = _xavier(ks[8], (H, DH), DH, 1, gain)
    inp['attn_r1'] = _xavier(ks[9], (H, DH), DH, 1, gain)
    inp['bias1'] = jnp.zeros((H * DH,), dtype=jnp.float32)
    # self-loop params
    inp['loop_weight'] = _xavier(ks[10], (D, D), D, D, gain)
    inp['h_bias'] = jnp.zeros((D,), dtype=jnp.float32)
    return inp


def _gat(x_src, x_dst, src, dst, W, attn_l, attn_r, bias, n_dst):
    fs = (x_src @ W).reshape(-1, H, DH)            # [Nsrc, H, DH]
    fd = (x_dst @ W).reshape(-1, H, DH)            # [Ndst, H, DH]
    el = jnp.sum(fs * attn_l[None, :, :], axis=-1)  # [Nsrc, H]
    er = jnp.sum(fd * attn_r[None, :, :], axis=-1)  # [Ndst, H]
    e = el[src] + er[dst]                           # [E, H]
    e = jnp.where(e > 0, e, 0.2 * e)                # LeakyReLU(0.2)
    emax = jax.ops.segment_max(e, dst, num_segments=n_dst)
    emax = jnp.where(jnp.isfinite(emax), emax, 0.0)
    ee = jnp.exp(e - emax[dst])
    denom = jax.ops.segment_sum(ee, dst, num_segments=n_dst)
    alpha = ee / (denom[dst] + 1e-9)                # edge softmax per dst
    msg = (alpha[:, :, None] * fs[src]).reshape(-1, H * DH)
    out = jax.ops.segment_sum(msg, dst, num_segments=n_dst)
    return out + bias[None, :]                      # [Ndst, H*DH] (flattened heads)


def reference(x_user, x_item, edge_index_r0, edge_index_r1,
              W0, attn_l0, attn_r0, bias0,
              W1, attn_l1, attn_r1, bias1,
              loop_weight, h_bias):
    src0, dst0 = edge_index_r0[0], edge_index_r0[1]
    src1, dst1 = edge_index_r1[0], edge_index_r1[1]
    h_item = _gat(x_user, x_item, src0, dst0, W0, attn_l0, attn_r0, bias0, N_ITEM)
    h_user = _gat(x_item, x_user, src1, dst1, W1, attn_l1, attn_r1, bias1, N_USER)
    out_user = h_user + x_user @ loop_weight + h_bias[None, :]
    out_item = h_item + x_item @ loop_weight + h_bias[None, :]
    # activation=None, dropout=0.0 -> identity
    return jnp.stack([out_user, out_item], axis=0)  # [2, N, D]

if __name__ == "__main__":
    import jax
    _d = setup_inputs()
    print(jax.jit(kernel)(*tuple(_d.values())))

</pallas_src>

<mosaic_0001>
#map = affine_map<(d0, d1) -> (0, 0)>
#map1 = affine_map<(d0, d1) -> (0)>
module attributes {stable_mosaic.version = 14 : i64} {
  func.func @_edge_kernel(%arg0: i32, %arg1: i32, %arg2: memref<20000x144xf32, #tpu.memory_space<hbm>>, %arg3: memref<20000x16xf32, #tpu.memory_space<hbm>>, %arg4: memref<640000xi32, #tpu.memory_space<hbm>>, %arg5: memref<640000xi32, #tpu.memory_space<hbm>>, %arg6: memref<20480x128xf32, #tpu.memory_space<hbm>>, %arg7: memref<20480x128xf32, #tpu.memory_space<hbm>>, %arg8: memref<10240x144xf32, #tpu.memory_space<vmem_shared>>, %arg9: memref<80x144xf32, #tpu.memory_space<vmem>>, %arg10: memref<80x144xf32, #tpu.memory_space<vmem>>, %arg11: memref<80x16xf32, #tpu.memory_space<vmem>>, %arg12: memref<80x16xf32, #tpu.memory_space<vmem>>, %arg13: memref<80x16xf32, #tpu.memory_space<vmem>>, %arg14: memref<80xi32, #tpu.memory_space<vmem>>, %arg15: memref<80xi32, #tpu.memory_space<vmem>>, %arg16: memref<80xi32, #tpu.memory_space<vmem>>, %arg17: memref<80xi32, #tpu.memory_space<vmem>>, %arg18: memref<80xi32, #tpu.memory_space<vmem>>, %arg19: memref<80xi32, #tpu.memory_space<vmem>>, %arg20: memref<32x144xf32, #tpu.memory_space<vmem>>, %arg21: memref<32x128xf32, #tpu.memory_space<vmem>>, %arg22: memref<!tpu.dma_semaphore, #tpu.memory_space<semaphore_mem>>, %arg23: memref<!tpu.dma_semaphore, #tpu.memory_space<semaphore_mem>>) attributes {dimension_semantics = [#tpu.dimension_semantics<core_parallel>, #tpu.dimension_semantics<subcore_parallel>], iteration_bounds = array<i64: 2, 16>, scalar_prefetch = 0 : i64, scratch_operands = 16 : i64, tpu.core_type = #tpu.core_type<sc_vector_subcore>, window_params = [{transform_indices = #map}, {transform_indices = #map}, {transform_indices = #map1}, {transform_indices = #map1}, {transform_indices = #map}, {transform_indices = #map}]} {
    %iota3A = tpu.iota {dimensions = array<i32: 0>} : vector<16xi32>
    %broadcast_in_dim3A = arith.constant 0.000000e+00 : f32
    %broadcast_in_dim3A_0 = vector.broadcast %broadcast_in_dim3A : f32 to vector<16xf32>
    %scan3A = arith.constant 0 : i32
    %scan3A_1 = arith.constant 0 : i32
    %scan3A_2 = arith.constant 80 : i32
    %scan3A_3 = arith.addi %scan3A_1, %scan3A_2 : i32
    %scan3A_4 = arith.constant 1 : i32
    %scan3A_5 = scf.for %scan3A_67 = %scan3A_1 to %scan3A_3 step %scan3A_4 iter_args(%scan3A_68 = %scan3A) -> (i32)  : i32 {
      %swap3A = arith.index_cast %scan3A_67 : i32 to index
      %swap3A_69 = arith.constant 0 : index
      %swap3A_70 = tpu.vector_load %arg9[%swap3A, %swap3A_69] {strides = array<i32>} : memref<80x144xf32, #tpu.memory_space<vmem>>, vector<16xf32>,
      tpu.vector_store %arg9[%swap3A, %swap3A_69], %broadcast_in_dim3A_0 {strides = array<i32>} : memref<80x144xf32, #tpu.memory_space<vmem>>, vector<16xf32>,
      %swap3A_71 = arith.index_cast %scan3A_67 : i32 to index
      %swap3A_72 = arith.constant 16 : index
      %swap3A_73 = tpu.vector_load %arg9[%swap3A_71, %swap3A_72] {strides = array<i32>} : memref<80x144xf32, #tpu.memory_space<vmem>>, vector<16xf32>,
      tpu.vector_store %arg9[%swap3A_71, %swap3A_72], %broadcast_in_dim3A_0 {strides = array<i32>} : memref<80x144xf32, #tpu.memory_space<vmem>>, vector<16xf32>,
      %swap3A_74 = arith.index_cast %scan3A_67 : i32 to index
      %swap3A_75 = arith.constant 32 : index
      %swap3A_76 = tpu.vector_load %arg9[%swap3A_74, %swap3A_75] {strides = array<i32>} : memref<80x144xf32, #tpu.memory_space<vmem>>, vector<16xf32>,
      tpu.vector_store %arg9[%swap3A_74, %swap3A_75], %broadcast_in_dim3A_0 {strides = array<i32>} : memref<80x144xf32, #tpu.memory_space<vmem>>, vector<16xf32>,
      %swap3A_77 = arith.index_cast %scan3A_67 : i32 to index
      %swap3A_78 = arith.constant 48 : index
      %swap3A_79 = tpu.vector_load %arg9[%swap3A_77, %swap3A_78] {strides = array<i32>} : memref<80x144xf32, #tpu.memory_space<vmem>>, vector<16xf32>,
      tpu.vector_store %arg9[%swap3A_77, %swap3A_78], %broadcast_in_dim3A_0 {strides = array<i32>} : memref<80x144xf32, #tpu.memory_space<vmem>>, vector<16xf32>,
      %swap3A_80 = arith.index_cast %scan3A_67 : i32 to index
      %swap3A_81 = arith.constant 64 : index
      %swap3A_82 = tpu.vector_load %arg9[%swap3A_80, %swap3A_81] {strides = array<i32>} : memref<80x144xf32, #tpu.memory_space<vmem>>, vector<16xf32>,
      tpu.vector_store %arg9[%swap3A_80, %swap3A_81], %broadcast_in_dim3A_0 {strides = array<i32>} : memref<80x144xf32, #tpu.memory_space<vmem>>, vector<16xf32>,
      %swap3A_83 = arith.index_cast %scan3A_67 : i32 to index
      %swap3A_84 = arith.constant 80 : index
      %swap3A_85 = tpu.vector_load %arg9[%swap3A_83, %swap3A_84] {strides = array<i32>} : memref<80x144xf32, #tpu.memory_space<vmem>>, vector<16xf32>,
      tpu.vector_store %arg9[%swap3A_83, %swap3A_84], %broadcast_in_dim3A_0 {strides = array<i32>} : memref<80x144xf32, #tpu.memory_space<vmem>>, vector<16xf32>,
      %swap3A_86 = arith.index_cast %scan3A_67 : i32 to index
      %swap3A_87 = arith.constant 96 : index
      %swap3A_88 = tpu.vector_load %arg9[%swap3A_86, %swap3A_87] {strides = array<i32>} : memref<80x144xf32, #tpu.memory_space<vmem>>, vector<16xf32>,
      tpu.vector_store %arg9[%swap3A_86, %swap3A_87], %broadcast_in_dim3A_0 {strides = array<i32>} : memref<80x144xf32, #tpu.memory_space<vmem>>, vector<16xf32>,
      %swap3A_89 = arith.index_cast %scan3A_67 : i32 to index
      %swap3A_90 = arith.constant 112 : index
      %swap3A_91 = tpu.vector_load %arg9[%swap3A_89, %swap3A_90] {strides = array<i32>} : memref<80x144xf32, #tpu.memory_space<vmem>>, vector<16xf32>,
      tpu.vector_store %arg9[%swap3A_89, %swap3A_90], %broadcast_in_dim3A_0 {strides = array<i32>} : memref<80x144xf32, #tpu.memory_space<vmem>>, vector<16xf32>,
      %swap3A_92 = arith.index_cast %scan3A_67 : i32 to index
      %swap3A_93 = arith.constant 128 : index
      %swap3A_94 = tpu.vector_load %arg9[%swap3A_92, %swap3A_93] {strides = array<i32>} : memref<80x144xf32, #tpu.memory_space<vmem>>, vector<16xf32>,
      tpu.vector_store %arg9[%swap3A_92, %swap3A_93], %broadcast_in_dim3A_0 {strides = array<i32>} : memref<80x144xf32, #tpu.memory_space<vmem>>, vector<16xf32>,
      %jit3A = arith.constant 80 : i32
      %eq3A = arith.constant 0 : i32
      %eq3A_95 = arith.cmpi eq, %jit3A, %eq3A : i32
      %jit3A_96 = arith.constant 1 : i32
      %select_n3A = arith.select %eq3A_95, %jit3A_96, %jit3A : i32
      %rem3A = arith.remsi %scan3A_67, %select_n3A : i32
      %ne3A = arith.constant 0 : i32
      %ne3A_97 = arith.cmpi ne, %rem3A, %ne3A : i32
      %lt3A = arith.constant 0 : i32
      %lt3A_98 = arith.cmpi slt, %rem3A, %lt3A : i32
      %lt3A_99 = arith.constant 0 : i32
      %lt3A_100 = arith.cmpi slt, %select_n3A, %lt3A_99 : i32
      %ne3A_101 = arith.xori %lt3A_98, %lt3A_100 : i1
      %and3A = arith.andi %ne3A_101, %ne3A_97 : i1
      %add3A_102 = arith.addi %rem3A, %select_n3A : i32
      %select_n3A_103 = arith.select %and3A, %add3A_102, %rem3A : i32
      %swap3A_104 = arith.index_cast %select_n3A_103 : i32 to index
      %swap3A_105 = arith.constant 0 : index
      %swap3A_106 = tpu.vector_load %arg13[%swap3A_104, %swap3A_105] {strides = array<i32>} : memref<80x16xf32, #tpu.memory_space<vmem>>, vector<16xf32>,
      tpu.vector_store %arg13[%swap3A_104, %swap3A_105], %broadcast_in_dim3A_0 {strides = array<i32>} : memref<80x16xf32, #tpu.memory_space<vmem>>, vector<16xf32>,
      %scan3A_107 = arith.constant 0 : i32
      scf.yield %scan3A_107 : i32
    }
    %scan3A_6 = arith.constant 80 : i32
    %mul3A = arith.constant 640 : i32
    %mul3A_7 = arith.muli %arg1, %mul3A : i32
    %add3A = arith.constant 0 : i32
    %add3A_8 = arith.addi %mul3A_7, %add3A : i32
    "tpu.region"() ({
      %run_scoped3A = tpu.sem_alloc : memref<!tpu.dma_semaphore, #tpu.memory_space<semaphore_mem>>
      %dma_start3A_67 = arith.constant 0 : i32
      %dma_start3A_68 = tpu.memref_slice %arg8[%add3A_8, %dma_start3A_67] : memref<10240x144xf32, #tpu.memory_space<vmem_shared>> -> memref<80x144xf32, #tpu.memory_space<vmem_shared>>
      %dma_start3A_69 = arith.constant 0 : i32
      %dma_start3A_70 = tpu.memref_slice %arg8[%add3A_8, %dma_start3A_69] : memref<10240x144xf32, #tpu.memory_space<vmem_shared>> -> memref<80x144xf32, #tpu.memory_space<vmem_shared>>
      tpu.enqueue_dma source(%arg9 : memref<80x144xf32, #tpu.memory_space<vmem>>) target(%dma_start3A_70 : memref<80x144xf32, #tpu.memory_space<vmem_shared>>) target_semaphore(%run_scoped3A : memref<!tpu.dma_semaphore, #tpu.memory_space<semaphore_mem>>)
      %dma_wait3A_71 = arith.constant 0 : i32
      %dma_wait3A_72 = tpu.memref_slice %arg8[%add3A_8, %dma_wait3A_71] : memref<10240x144xf32, #tpu.memory_space<vmem_shared>> -> memref<80x144xf32, #tpu.memory_space<vmem_shared>>
      %dma_wait3A_73 = arith.constant 0 : i32
      %dma_wait3A_74 = tpu.memref_slice %arg8[%add3A_8, %dma_wait3A_73] : memref<10240x144xf32, #tpu.memory_space<vmem_shared>> -> memref<80x144xf32, #tpu.memory_space<vmem_shared>>
      tpu.wait_dma2 semaphore(%run_scoped3A : memref<!tpu.dma_semaphore, #tpu.memory_space<semaphore_mem>>) src(%arg9 : memref<80x144xf32, #tpu.memory_space<vmem>>) dst(%dma_wait3A_74 : memref<80x144xf32, #tpu.memory_space<vmem_shared>>)
      tpu.yield
    }) : () -> ()
    %add3A_9 = arith.constant 80 : i32
    %add3A_10 = arith.addi %mul3A_7, %add3A_9 : i32
    "tpu.region"() ({
      %run_scoped3A = tpu.sem_alloc : memref<!tpu.dma_semaphore, #tpu.memory_space<semaphore_mem>>
      %dma_start3A_67 = arith.constant 0 : i32
      %dma_start3A_68 = tpu.memref_slice %arg8[%add3A_10, %dma_start3A_67] : memref<10240x144xf32, #tpu.memory_space<vmem_shared>> -> memref<80x144xf32, #tpu.memory_space<vmem_shared>>
      %dma_start3A_69 = arith.constant 0 : i32
      %dma_start3A_70 = tpu.memref_slice %arg8[%add3A_10, %dma_start3A_69] : memref<10240x144xf32, #tpu.memory_space<vmem_shared>> -> memref<80x144xf32, #tpu.memory_space<vmem_shared>>
      tpu.enqueue_dma source(%arg9 : memref<80x144xf32, #tpu.memory_space<vmem>>) target(%dma_start3A_70 : memref<80x144xf32, #tpu.memory_space<vmem_shared>>) target_semaphore(%run_scoped3A : memref<!tpu.dma_semaphore, #tpu.memory_space<semaphore_mem>>)
      %dma_wait3A_71 = arith.constant 0 : i32
      %dma_wait3A_72 = tpu.memref_slice %arg8[%add3A_10, %dma_wait3A_71] : memref<10240x144xf32, #tpu.memory_space<vmem_shared>> -> memref<80x144xf32, #tpu.memory_space<vmem_shared>>
      %dma_wait3A_73 = arith.constant 0 : i32
      %dma_wait3A_74 = tpu.memref_slice %arg8[%add3A_10, %dma_wait3A_73] : memref<10240x144xf32, #tpu.memory_space<vmem_shared>> -> memref<80x144xf32, #tpu.memory_space<vmem_shared>>
      tpu.wait_dma2 semaphore(%run_scoped3A : memref<!tpu.dma_semaphore, #tpu.memory_space<semaphore_mem>>) src(%arg9 : memref<80x144xf32, #tpu.memory_space<vmem>>) dst(%dma_wait3A_74 : memref<80x144xf32, #tpu.memory_space<vmem_shared>>)
      tpu.yield
    }) : () -> ()
    %add3A_11 = arith.constant 160 : i32
    %add3A_12 = arith.addi %mul3A_7, %add3A_11 : i32
    "tpu.region"() ({
      %run_scoped3A = tpu.sem_alloc : memref<!tpu.dma_semaphore, #tpu.memory_space<semaphore_mem>>
      %dma_start3A_67 = arith.constant 0 : i32
      %dma_start3A_68 = tpu.memref_slice %arg8[%add3A_12, %dma_start3A_67] : memref<10240x144xf32, #tpu.memory_space<vmem_shared>> -> memref<80x144xf32, #tpu.memory_space<vmem_shared>>
      %dma_start3A_69 = arith.constant 0 : i32
      %dma_start3A_70 = tpu.memref_slice %arg8[%add3A_12, %dma_start3A_69] : memref<10240x144xf32, #tpu.memory_space<vmem_shared>> -> memref<80x144xf32, #tpu.memory_space<vmem_shared>>
      tpu.enqueue_dma source(%arg9 : memref<80x144xf32, #tpu.memory_space<vmem>>) target(%dma_start3A_70 : memref<80x144xf32, #tpu.memory_space<vmem_shared>>) target_semaphore(%run_scoped3A : memref<!tpu.dma_semaphore, #tpu.memory_space<semaphore_mem>>)
      %dma_wait3A_71 = arith.constant 0 : i32
      %dma_wait3A_72 = tpu.memref_slice %arg8[%add3A_12, %dma_wait3A_71] : memref<10240x144xf32, #tpu.memory_space<vmem_shared>> -> memref<80x144xf32, #tpu.memory_space<vmem_shared>>
      %dma_wait3A_73 = arith.constant 0 : i32
      %dma_wait3A_74 = tpu.memref_slice %arg8[%add3A_12, %dma_wait3A_73] : memref<10240x144xf32, #tpu.memory_space<vmem_shared>> -> memref<80x144xf32, #tpu.memory_space<vmem_shared>>
      tpu.wait_dma2 semaphore(%run_scoped3A : memref<!tpu.dma_semaphore, #tpu.memory_space<semaphore_mem>>) src(%arg9 : memref<80x144xf32, #tpu.memory_space<vmem>>) dst(%dma_wait3A_74 : memref<80x144xf32, #tpu.memory_space<vmem_shared>>)
      tpu.yield
    }) : () -> ()
    %add3A_13 = arith.constant 240 : i32
    %add3A_14 = arith.addi %mul3A_7, %add3A_13 : i32
    "tpu.region"() ({
      %run_scoped3A = tpu.sem_alloc : memref<!tpu.dma_semaphore, #tpu.memory_space<semaphore_mem>>
      %dma_start3A_67 = arith.constant 0 : i32
      %dma_start3A_68 = tpu.memref_slice %arg8[%add3A_14, %dma_start3A_67] : memref<10240x144xf32, #tpu.memory_space<vmem_shared>> -> memref<80x144xf32, #tpu.memory_space<vmem_shared>>
      %dma_start3A_69 = arith.constant 0 : i32
      %dma_start3A_70 = tpu.memref_slice %arg8[%add3A_14, %dma_start3A_69] : memref<10240x144xf32, #tpu.memory_space<vmem_shared>> -> memref<80x144xf32, #tpu.memory_space<vmem_shared>>
      tpu.enqueue_dma source(%arg9 : memref<80x144xf32, #tpu.memory_space<vmem>>) target(%dma_start3A_70 : memref<80x144xf32, #tpu.memory_space<vmem_shared>>) target_semaphore(%run_scoped3A : memref<!tpu.dma_semaphore, #tpu.memory_space<semaphore_mem>>)
      %dma_wait3A_71 = arith.constant 0 : i32
      %dma_wait3A_72 = tpu.memref_slice %arg8[%add3A_14, %dma_wait3A_71] : memref<10240x144xf32, #tpu.memory_space<vmem_shared>> -> memref<80x144xf32, #tpu.memory_space<vmem_shared>>
      %dma_wait3A_73 = arith.constant 0 : i32
      %dma_wait3A_74 = tpu.memref_slice %arg8[%add3A_14, %dma_wait3A_73] : memref<10240x144xf32, #tpu.memory_space<vmem_shared>> -> memref<80x144xf32, #tpu.memory_space<vmem_shared>>
      tpu.wait_dma2 semaphore(%run_scoped3A : memref<!tpu.dma_semaphore, #tpu.memory_space<semaphore_mem>>) src(%arg9 : memref<80x144xf32, #tpu.memory_space<vmem>>) dst(%dma_wait3A_74 : memref<80x144xf32, #tpu.memory_space<vmem_shared>>)
      tpu.yield
    }) : () -> ()
    %add3A_15 = arith.constant 320 : i32
    %add3A_16 = arith.addi %mul3A_7, %add3A_15 : i32
    "tpu.region"() ({
      %run_scoped3A = tpu.sem_alloc : memref<!tpu.dma_semaphore, #tpu.memory_space<semaphore_mem>>
      %dma_start3A_67 = arith.constant 0 : i32
      %dma_start3A_68 = tpu.memref_slice %arg8[%add3A_16, %dma_start3A_67] : memref<10240x144xf32, #tpu.memory_space<vmem_shared>> -> memref<80x144xf32, #tpu.memory_space<vmem_shared>>
      %dma_start3A_69 = arith.constant 0 : i32
      %dma_start3A_70 = tpu.memref_slice %arg8[%add3A_16, %dma_start3A_69] : memref<10240x144xf32, #tpu.memory_space<vmem_shared>> -> memref<80x144xf32, #tpu.memory_space<vmem_shared>>
      tpu.enqueue_dma source(%arg9 : memref<80x144xf32, #tpu.memory_space<vmem>>) target(%dma_start3A_70 : memref<80x144xf32, #tpu.memory_space<vmem_shared>>) target_semaphore(%run_scoped3A : memref<!tpu.dma_semaphore, #tpu.memory_space<semaphore_mem>>)
      %dma_wait3A_71 = arith.constant 0 : i32
      %dma_wait3A_72 = tpu.memref_slice %arg8[%add3A_16, %dma_wait3A_71] : memref<10240x144xf32, #tpu.memory_space<vmem_shared>> -> memref<80x144xf32, #tpu.memory_space<vmem_shared>>
      %dma_wait3A_73 = arith.constant 0 : i32
      %dma_wait3A_74 = tpu.memref_slice %arg8[%add3A_16, %dma_wait3A_73] : memref<10240x144xf32, #tpu.memory_space<vmem_shared>> -> memref<80x144xf32, #tpu.memory_space<vmem_shared>>
      tpu.wait_dma2 semaphore(%run_scoped3A : memref<!tpu.dma_semaphore, #tpu.memory_space<semaphore_mem>>) src(%arg9 : memref<80x144xf32, #tpu.memory_space<vmem>>) dst(%dma_wait3A_74 : memref<80x144xf32, #tpu.memory_space<vmem_shared>>)
      tpu.yield
    }) : () -> ()
    %add3A_17 = arith.constant 400 : i32
    %add3A_18 = arith.addi %mul3A_7, %add3A_17 : i32
    "tpu.region"() ({
      %run_scoped3A = tpu.sem_alloc : memref<!tpu.dma_semaphore, #tpu.memory_space<semaphore_mem>>
      %dma_start3A_67 = arith.constant 0 : i32
      %dma_start3A_68 = tpu.memref_slice %arg8[%add3A_18, %dma_start3A_67] : memref<10240x144xf32, #tpu.memory_space<vmem_shared>> -> memref<80x144xf32, #tpu.memory_space<vmem_shared>>
      %dma_start3A_69 = arith.constant 0 : i32
      %dma_start3A_70 = tpu.memref_slice %arg8[%add3A_18, %dma_start3A_69] : memref<10240x144xf32, #tpu.memory_space<vmem_shared>> -> memref<80x144xf32, #tpu.memory_space<vmem_shared>>
      tpu.enqueue_dma source(%arg9 : memref<80x144xf32, #tpu.memory_space<vmem>>) target(%dma_start3A_70 : memref<80x144xf32, #tpu.memory_space<vmem_shared>>) target_semaphore(%run_scoped3A : memref<!tpu.dma_semaphore, #tpu.memory_space<semaphore_mem>>)
      %dma_wait3A_71 = arith.constant 0 : i32
      %dma_wait3A_72 = tpu.memref_slice %arg8[%add3A_18, %dma_wait3A_71] : memref<10240x144xf32, #tpu.memory_space<vmem_shared>> -> memref<80x144xf32, #tpu.memory_space<vmem_shared>>
      %dma_wait3A_73 = arith.constant 0 : i32
      %dma_wait3A_74 = tpu.memref_slice %arg8[%add3A_18, %dma_wait3A_73] : memref<10240x144xf32, #tpu.memory_space<vmem_shared>> -> memref<80x144xf32, #tpu.memory_space<vmem_shared>>
      tpu.wait_dma2 semaphore(%run_scoped3A : memref<!tpu.dma_semaphore, #tpu.memory_space<semaphore_mem>>) src(%arg9 : memref<80x144xf32, #tpu.memory_space<vmem>>) dst(%dma_wait3A_74 : memref<80x144xf32, #tpu.memory_space<vmem_shared>>)
      tpu.yield
    }) : () -> ()
    %add3A_19 = arith.constant 480 : i32
    %add3A_20 = arith.addi %mul3A_7, %add3A_19 : i32
    "tpu.region"() ({
      %run_scoped3A = tpu.sem_alloc : memref<!tpu.dma_semaphore, #tpu.memory_space<semaphore_mem>>
      %dma_start3A_67 = arith.constant 0 : i32
      %dma_start3A_68 = tpu.memref_slice %arg8[%add3A_20, %dma_start3A_67] : memref<10240x144xf32, #tpu.memory_space<vmem_shared>> -> memref<80x144xf32, #tpu.memory_space<vmem_shared>>
      %dma_start3A_69 = arith.constant 0 : i32
      %dma_start3A_70 = tpu.memref_slice %arg8[%add3A_20, %dma_start3A_69] : memref<10240x144xf32, #tpu.memory_space<vmem_shared>> -> memref<80x144xf32, #tpu.memory_space<vmem_shared>>
      tpu.enqueue_dma source(%arg9 : memref<80x144xf32, #tpu.memory_space<vmem>>) target(%dma_start3A_70 : memref<80x144xf32, #tpu.memory_space<vmem_shared>>) target_semaphore(%run_scoped3A : memref<!tpu.dma_semaphore, #tpu.memory_space<semaphore_mem>>)
      %dma_wait3A_71 = arith.constant 0 : i32
      %dma_wait3A_72 = tpu.memref_slice %arg8[%add3A_20, %dma_wait3A_71] : memref<10240x144xf32, #tpu.memory_space<vmem_shared>> -> memref<80x144xf32, #tpu.memory_space<vmem_shared>>
      %dma_wait3A_73 = arith.constant 0 : i32
      %dma_wait3A_74 = tpu.memref_slice %arg8[%add3A_20, %dma_wait3A_73] : memref<10240x144xf32, #tpu.memory_space<vmem_shared>> -> memref<80x144xf32, #tpu.memory_space<vmem_shared>>
      tpu.wait_dma2 semaphore(%run_scoped3A : memref<!tpu.dma_semaphore, #tpu.memory_space<semaphore_mem>>) src(%arg9 : memref<80x144xf32, #tpu.memory_space<vmem>>) dst(%dma_wait3A_74 : memref<80x144xf32, #tpu.memory_space<vmem_shared>>)
      tpu.yield
    }) : () -> ()
    %add3A_21 = arith.constant 560 : i32
    %add3A_22 = arith.addi %mul3A_7, %add3A_21 : i32
    "tpu.region"() ({
      %run_scoped3A = tpu.sem_alloc : memref<!tpu.dma_semaphore, #tpu.memory_space<semaphore_mem>>
      %dma_start3A_67 = arith.constant 0 : i32
      %dma_start3A_68 = tpu.memref_slice %arg8[%add3A_22, %dma_start3A_67] : memref<10240x144xf32, #tpu.memory_space<vmem_shared>> -> memref<80x144xf32, #tpu.memory_space<vmem_shared>>
      %dma_start3A_69 = arith.constant 0 : i32
      %dma_start3A_70 = tpu.memref_slice %arg8[%add3A_22, %dma_start3A_69] : memref<10240x144xf32, #tpu.memory_space<vmem_shared>> -> memref<80x144xf32, #tpu.memory_space<vmem_shared>>
      tpu.enqueue_dma source(%arg9 : memref<80x144xf32, #tpu.memory_space<vmem>>) target(%dma_start3A_70 : memref<80x144xf32, #tpu.memory_space<vmem_shared>>) target_semaphore(%run_scoped3A : memref<!tpu.dma_semaphore, #tpu.memory_space<semaphore_mem>>)
      %dma_wait3A_71 = arith.constant 0 : i32
      %dma_wait3A_72 = tpu.memref_slice %arg8[%add3A_22, %dma_wait3A_71] : memref<10240x144xf32, #tpu.memory_space<vmem_shared>> -> memref<80x144xf32, #tpu.memory_space<vmem_shared>>
      %dma_wait3A_73 = arith.constant 0 : i32
      %dma_wait3A_74 = tpu.memref_slice %arg8[%add3A_22, %dma_wait3A_73] : memref<10240x144xf32, #tpu.memory_space<vmem_shared>> -> memref<80x144xf32, #tpu.memory_space<vmem_shared>>
      tpu.wait_dma2 semaphore(%run_scoped3A : memref<!tpu.dma_semaphore, #tpu.memory_space<semaphore_mem>>) src(%arg9 : memref<80x144xf32, #tpu.memory_space<vmem>>) dst(%dma_wait3A_74 : memref<80x144xf32, #tpu.memory_space<vmem_shared>>)
      tpu.yield
    }) : () -> ()
    %barrier3A = arith.constant 0 : index
    tpu.barrier barrier_id(%barrier3A)
    %mul3A_23 = arith.constant 320000 : i32
    %mul3A_24 = arith.muli %arg0, %mul3A_23 : i32
    %mul3A_25 = arith.constant 20000 : i32
    %mul3A_26 = arith.muli %arg1, %mul3A_25 : i32
    %add3A_27 = arith.addi %mul3A_24, %mul3A_26 : i32
    %mul3A_28 = arith.constant 10000 : i32
    %mul3A_29 = arith.muli %arg0, %mul3A_28 : i32
    %add3A_30 = arith.constant 0 : i32
    %add3A_31 = arith.addi %add3A_27, %add3A_30 : i32
    "tpu.region"() ({
      %run_scoped3A = tpu.sem_alloc : memref<!tpu.dma_semaphore, #tpu.memory_space<semaphore_mem>>
      %dma_start3A_67 = tpu.memref_slice %arg4[%add3A_31] : memref<640000xi32, #tpu.memory_space<hbm>> -> memref<80xi32, #tpu.memory_space<hbm>>
      %dma_start3A_68 = tpu.memref_slice %arg4[%add3A_31] : memref<640000xi32, #tpu.memory_space<hbm>> -> memref<80xi32, #tpu.memory_space<hbm>>
      tpu.enqueue_dma source(%dma_start3A_68 : memref<80xi32, #tpu.memory_space<hbm>>) target(%arg14 : memref<80xi32, #tpu.memory_space<vmem>>) target_semaphore(%run_scoped3A : memref<!tpu.dma_semaphore, #tpu.memory_space<semaphore_mem>>)
      %dma_wait3A_69 = tpu.memref_slice %arg4[%add3A_31] : memref<640000xi32, #tpu.memory_space<hbm>> -> memref<80xi32, #tpu.memory_space<hbm>>
      %dma_wait3A_70 = tpu.memref_slice %arg4[%add3A_31] : memref<640000xi32, #tpu.memory_space<hbm>> -> memref<80xi32, #tpu.memory_space<hbm>>
      tpu.wait_dma2 semaphore(%run_scoped3A : memref<!tpu.dma_semaphore, #tpu.memory_space<semaphore_mem>>) src(%dma_wait3A_70 : memref<80xi32, #tpu.memory_space<hbm>>) dst(%arg14 : memref<80xi32, #tpu.memory_space<vmem>>)
      tpu.yield
    }) : () -> ()
    "tpu.region"() ({
      %run_scoped3A = tpu.sem_alloc : memref<!tpu.dma_semaphore, #tpu.memory_space<semaphore_mem>>
      %dma_start3A_67 = tpu.memref_slice %arg5[%add3A_31] : memref<640000xi32, #tpu.memory_space<hbm>> -> memref<80xi32, #tpu.memory_space<hbm>>
      %dma_start3A_68 = tpu.memref_slice %arg5[%add3A_31] : memref<640000xi32, #tpu.memory_space<hbm>> -> memref<80xi32, #tpu.memory_space<hbm>>
      tpu.enqueue_dma source(%dma_start3A_68 : memref<80xi32, #tpu.memory_space<hbm>>) target(%arg16 : memref<80xi32, #tpu.memory_space<vmem>>) target_semaphore(%run_scoped3A : memref<!tpu.dma_semaphore, #tpu.memory_space<semaphore_mem>>)
      %dma_wait3A_69 = tpu.memref_slice %arg5[%add3A_31] : memref<640000xi32, #tpu.memory_space<hbm>> -> memref<80xi32, #tpu.memory_space<hbm>>
      %dma_wait3A_70 = tpu.memref_slice %arg5[%add3A_31] : memref<640000xi32, #tpu.memory_space<hbm>> -> memref<80xi32, #tpu.memory_space<hbm>>
      tpu.wait_dma2 semaphore(%run_scoped3A : memref<!tpu.dma_semaphore, #tpu.memory_space<semaphore_mem>>) src(%dma_wait3A_70 : memref<80xi32, #tpu.memory_space<hbm>>) dst(%arg16 : memref<80xi32, #tpu.memory_space<vmem>>)
      tpu.yield
    }) : () -> ()
    %scan3A_32 = arith.constant 0 : i32
    %scan3A_33 = arith.constant 0 : i32
    %scan3A_34 = arith.constant 5 : i32
    %scan3A_35 = arith.addi %scan3A_33, %scan3A_34 : i32
    %scan3A_36 = arith.constant 1 : i32
    %scan3A_37 = scf.for %scan3A_67 = %scan3A_33 to %scan3A_35 step %scan3A_36 iter_args(%scan3A_68 = %scan3A_32) -> (i32)  : i32 {
      %mul3A_69 = arith.constant 16 : i32
      %mul3A_70 = arith.muli %scan3A_67, %mul3A_69 : i32
      %get3A = arith.index_cast %mul3A_70 : i32 to index
      %get3A_71 = tpu.vector_load %arg14[%get3A] {strides = array<i32>} : memref<80xi32, #tpu.memory_space<vmem>>, vector<16xi32>,
      %add3A_72 = vector.broadcast %mul3A_29 : i32 to vector<16xi32>
      %add3A_73 = arith.addi %get3A_71, %add3A_72 : vector<16xi32>
      %swap3A = arith.index_cast %mul3A_70 : i32 to index
      %swap3A_74 = tpu.vector_load %arg14[%swap3A] {strides = array<i32>} : memref<80xi32, #tpu.memory_space<vmem>>, vector<16xi32>,
      tpu.vector_store %arg14[%swap3A], %add3A_73 {strides = array<i32>} : memref<80xi32, #tpu.memory_space<vmem>>, vector<16xi32>,
      %get3A_75 = arith.index_cast %mul3A_70 : i32 to index
      %get3A_76 = tpu.vector_load %arg16[%get3A_75] {strides = array<i32>} : memref<80xi32, #tpu.memory_space<vmem>>, vector<16xi32>,
      %add3A_77 = vector.broadcast %mul3A_29 : i32 to vector<16xi32>
      %add3A_78 = arith.addi %get3A_76, %add3A_77 : vector<16xi32>
      %swap3A_79 = arith.index_cast %mul3A_70 : i32 to index
      %swap3A_80 = tpu.vector_load %arg18[%swap3A_79] {strides = array<i32>} : memref<80xi32, #tpu.memory_space<vmem>>, vector<16xi32>,
      tpu.vector_store %arg18[%swap3A_79], %add3A_78 {strides = array<i32>} : memref<80xi32, #tpu.memory_space<vmem>>, vector<16xi32>,
      %scan3A_81 = arith.constant 0 : i32
      scf.yield %scan3A_81 : i32
    }
    %scan3A_38 = arith.constant 5 : i32
    %dma_start3A = arith.constant 0 : i32
    %dma_start3A_39 = arith.constant 0 : i32
    %dma_start3A_40 = tpu.memref_slice %arg2[%dma_start3A, %dma_start3A_39] : memref<20000x144xf32, #tpu.memory_space<hbm>> -> memref<20000x144xf32, #tpu.memory_space<hbm>>
    tpu.enqueue_indirect_dma source(%dma_start3A_40 : memref<20000x144xf32, #tpu.memory_space<hbm>>) target(%arg9 : memref<80x144xf32, #tpu.memory_space<vmem>>) offsets(%arg14 : memref<80xi32, #tpu.memory_space<vmem>>) semaphore(%arg22 : memref<!tpu.dma_semaphore, #tpu.memory_space<semaphore_mem>>)
    %dma_start3A_41 = arith.constant 0 : i32
    %dma_start3A_42 = arith.constant 0 : i32
    %dma_start3A_43 = tpu.memref_slice %arg3[%dma_start3A_41, %dma_start3A_42] : memref<20000x16xf32, #tpu.memory_space<hbm>> -> memref<20000x16xf32, #tpu.memory_space<hbm>>
    tpu.enqueue_indirect_dma source(%dma_start3A_43 : memref<20000x16xf32, #tpu.memory_space<hbm>>) target(%arg11 : memref<80x16xf32, #tpu.memory_space<vmem>>) offsets(%arg18 : memref<80xi32, #tpu.memory_space<vmem>>) semaphore(%arg22 : memref<!tpu.dma_semaphore, #tpu.memory_space<semaphore_mem>>)
    %scan3A_44 = arith.constant 0 : i32
    %scan3A_45 = arith.constant 0 : i32
    %scan3A_46 = arith.constant 125 : i32
    %scan3A_47 = arith.addi %scan3A_45, %scan3A_46 : i32
    %scan3A_48 = arith.constant 1 : i32
    %scan3A_49 = scf.for %scan3A_67 = %scan3A_45 to %scan3A_47 step %scan3A_48 iter_args(%scan3A_68 = %scan3A_44) -> (i32)  : i32 {
      %mul3A_69 = arith.constant 2 : i32
      %mul3A_70 = arith.muli %mul3A_69, %scan3A_67 : i32
      %add3A_71 = arith.constant 1 : i32
      %add3A_72 = arith.addi %mul3A_70, %add3A_71 : i32
      %mul3A_73 = arith.constant 80 : i32
      %mul3A_74 = arith.muli %add3A_72, %mul3A_73 : i32
      %add3A_75 = arith.addi %add3A_27, %mul3A_74 : i32
      "tpu.region"() ({
        %run_scoped3A = tpu.sem_alloc : memref<!tpu.dma_semaphore, #tpu.memory_space<semaphore_mem>>
        %dma_start3A_152 = tpu.memref_slice %arg4[%add3A_75] : memref<640000xi32, #tpu.memory_space<hbm>> -> memref<80xi32, #tpu.memory_space<hbm>>
        %dma_start3A_153 = tpu.memref_slice %arg4[%add3A_75] : memref<640000xi32, #tpu.memory_space<hbm>> -> memref<80xi32, #tpu.memory_space<hbm>>
        tpu.enqueue_dma source(%dma_start3A_153 : memref<80xi32, #tpu.memory_space<hbm>>) target(%arg15 : memref<80xi32, #tpu.memory_space<vmem>>) target_semaphore(%run_scoped3A : memref<!tpu.dma_semaphore, #tpu.memory_space<semaphore_mem>>)
        %dma_wait3A_154 = tpu.memref_slice %arg4[%add3A_75] : memref<640000xi32, #tpu.memory_space<hbm>> -> memref<80xi32, #tpu.memory_space<hbm>>
        %dma_wait3A_155 = tpu.memref_slice %arg4[%add3A_75] : memref<640000xi32, #tpu.memory_space<hbm>> -> memref<80xi32, #tpu.memory_space<hbm>>
        tpu.wait_dma2 semaphore(%run_scoped3A : memref<!tpu.dma_semaphore, #tpu.memory_space<semaphore_mem>>) src(%dma_wait3A_155 : memref<80xi32, #tpu.memory_space<hbm>>) dst(%arg15 : memref<80xi32, #tpu.memory_space<vmem>>)
        tpu.yield
      }) : () -> ()
      "tpu.region"() ({
        %run_scoped3A = tpu.sem_alloc : memref<!tpu.dma_semaphore, #tpu.memory_space<semaphore_mem>>
        %dma_start3A_152 = tpu.memref_slice %arg5[%add3A_75] : memref<640000xi32, #tpu.memory_space<hbm>> -> memref<80xi32, #tpu.memory_space<hbm>>
        %dma_start3A_153 = tpu.memref_slice %arg5[%add3A_75] : memref<640000xi32, #tpu.memory_space<hbm>> -> memref<80xi32, #tpu.memory_space<hbm>>
        tpu.enqueue_dma source(%dma_start3A_153 : memref<80xi32, #tpu.memory_space<hbm>>) target(%arg17 : memref<80xi32, #tpu.memory_space<vmem>>) target_semaphore(%run_scoped3A : memref<!tpu.dma_semaphore, #tpu.memory_space<semaphore_mem>>)
        %dma_wait3A_154 = tpu.memref_slice %arg5[%add3A_75] : memref<640000xi32, #tpu.memory_space<hbm>> -> memref<80xi32, #tpu.memory_space<hbm>>
        %dma_wait3A_155 = tpu.memref_slice %arg5[%add3A_75] : memref<640000xi32, #tpu.memory_space<hbm>> -> memref<80xi32, #tpu.memory_space<hbm>>
        tpu.wait_dma2 semaphore(%run_scoped3A : memref<!tpu.dma_semaphore, #tpu.memory_space<semaphore_mem>>) src(%dma_wait3A_155 : memref<80xi32, #tpu.memory_space<hbm>>) dst(%arg17 : memref<80xi32, #tpu.memory_space<vmem>>)
        tpu.yield
      }) : () -> ()
      %scan3A_76 = arith.constant 0 : i32
      %scan3A_77 = arith.constant 0 : i32
      %scan3A_78 = arith.constant 5 : i32
      %scan3A_79 = arith.addi %scan3A_77, %scan3A_78 : i32
      %scan3A_80 = arith.constant 1 : i32
      %scan3A_81 = scf.for %scan3A_152 = %scan3A_77 to %scan3A_79 step %scan3A_80 iter_args(%scan3A_153 = %scan3A_76) -> (i32)  : i32 {
        %mul3A_154 = arith.constant 16 : i32
        %mul3A_155 = arith.muli %scan3A_152, %mul3A_154 : i32
        %get3A = arith.index_cast %mul3A_155 : i32 to index
        %get3A_156 = tpu.vector_load %arg15[%get3A] {strides = array<i32>} : memref<80xi32, #tpu.memory_space<vmem>>, vector<16xi32>,
        %add3A_157 = vector.broadcast %mul3A_29 : i32 to vector<16xi32>
        %add3A_158 = arith.addi %get3A_156, %add3A_157 : vector<16xi32>
        %swap3A = arith.index_cast %mul3A_155 : i32 to index
        %swap3A_159 = tpu.vector_load %arg15[%swap3A] {strides = array<i32>} : memref<80xi32, #tpu.memory_space<vmem>>, vector<16xi32>,
        tpu.vector_store %arg15[%swap3A], %add3A_158 {strides = array<i32>} : memref<80xi32, #tpu.memory_space<vmem>>, vector<16xi32>,
        %get3A_160 = arith.index_cast %mul3A_155 : i32 to index
        %get3A_161 = tpu.vector_load %arg17[%get3A_160] {strides = array<i32>} : memref<80xi32, #tpu.memory_space<vmem>>, vector<16xi32>,
        %add3A_162 = vector.broadcast %mul3A_29 : i32 to vector<16xi32>
        %add3A_163 = arith.addi %get3A_161, %add3A_162 : vector<16xi32>
        %swap3A_164 = arith.index_cast %mul3A_155 : i32 to index
        %swap3A_165 = tpu.vector_load %arg19[%swap3A_164] {strides = array<i32>} : memref<80xi32, #tpu.memory_space<vmem>>, vector<16xi32>,
        tpu.vector_store %arg19[%swap3A_164], %add3A_163 {strides = array<i32>} : memref<80xi32, #tpu.memory_space<vmem>>, vector<16xi32>,
        %scan3A_166 = arith.constant 0 : i32
        scf.yield %scan3A_166 : i32
      }
      %scan3A_82 = arith.constant 5 : i32
      %dma_start3A_83 = arith.constant 0 : i32
      %dma_start3A_84 = arith.constant 0 : i32
      %dma_start3A_85 = tpu.memref_slice %arg2[%dma_start3A_83, %dma_start3A_84] : memref<20000x144xf32, #tpu.memory_space<hbm>> -> memref<20000x144xf32, #tpu.memory_space<hbm>>
      tpu.enqueue_indirect_dma source(%dma_start3A_85 : memref<20000x144xf32, #tpu.memory_space<hbm>>) target(%arg10 : memref<80x144xf32, #tpu.memory_space<vmem>>) offsets(%arg15 : memref<80xi32, #tpu.memory_space<vmem>>) semaphore(%arg23 : memref<!tpu.dma_semaphore, #tpu.memory_space<semaphore_mem>>)
      %dma_start3A_86 = arith.constant 0 : i32
      %dma_start3A_87 = arith.constant 0 : i32
      %dma_start3A_88 = tpu.memref_slice %arg3[%dma_start3A_86, %dma_start3A_87] : memref<20000x16xf32, #tpu.memory_space<hbm>> -> memref<20000x16xf32, #tpu.memory_space<hbm>>
      tpu.enqueue_indirect_dma source(%dma_start3A_88 : memref<20000x16xf32, #tpu.memory_space<hbm>>) target(%arg12 : memref<80x16xf32, #tpu.memory_space<vmem>>) offsets(%arg19 : memref<80xi32, #tpu.memory_space<vmem>>) semaphore(%arg23 : memref<!tpu.dma_semaphore, #tpu.memory_space<semaphore_mem>>)
      %dma_wait3A_89 = arith.constant 0 : i32
      %dma_wait3A_90 = arith.constant 0 : i32
      %dma_wait3A_91 = tpu.memref_slice %arg2[%dma_wait3A_89, %dma_wait3A_90] : memref<20000x144xf32, #tpu.memory_space<hbm>> -> memref<20000x144xf32, #tpu.memory_space<hbm>>
      tpu.wait_indirect_dma semaphore(%arg22 : memref<!tpu.dma_semaphore, #tpu.memory_space<semaphore_mem>>) src(%dma_wait3A_91 : memref<20000x144xf32, #tpu.memory_space<hbm>>) dst(%arg9 : memref<80x144xf32, #tpu.memory_space<vmem>>)
      %dma_wait3A_92 = arith.constant 0 : i32
      %dma_wait3A_93 = arith.constant 0 : i32
      %dma_wait3A_94 = tpu.memref_slice %arg3[%dma_wait3A_92, %dma_wait3A_93] : memref<20000x16xf32, #tpu.memory_space<hbm>> -> memref<20000x16xf32, #tpu.memory_space<hbm>>
      tpu.wait_indirect_dma semaphore(%arg22 : memref<!tpu.dma_semaphore, #tpu.memory_space<semaphore_mem>>) src(%dma_wait3A_94 : memref<20000x16xf32, #tpu.memory_space<hbm>>) dst(%arg11 : memref<80x16xf32, #tpu.memory_space<vmem>>)
      %scan3A_95 = arith.constant 0 : i32
      %scan3A_96 = arith.constant 0 : i32
      %scan3A_97 = arith.constant 5 : i32
      %scan3A_98 = arith.addi %scan3A_96, %scan3A_97 : i32
      %scan3A_99 = arith.constant 1 : i32
      %scan3A_100 = scf.for %scan3A_152 = %scan3A_96 to %scan3A_98 step %scan3A_99 iter_args(%scan3A_153 = %scan3A_95) -> (i32)  : i32 {
        %mul3A_154 = arith.constant 16 : i32
        %mul3A_155 = arith.muli %scan3A_152, %mul3A_154 : i32
        %add3A_156 = vector.broadcast %mul3A_155 : i32 to vector<16xi32>
        %add3A_157 = arith.addi %add3A_156, %iota3A : vector<16xi32>
        %broadcast_in_dim3A_158 = arith.constant 0 : i32
        %broadcast_in_dim3A_159 = vector.broadcast %broadcast_in_dim3A_158 : i32 to vector<16xi32>
        %broadcast_in_dim3A_160 = arith.constant 128 : i32
        %broadcast_in_dim3A_161 = vector.broadcast %broadcast_in_dim3A_160 : i32 to vector<16xi32>
        %gather3A = tpu.vector_load_idx %arg9[%add3A_157, %broadcast_in_dim3A_161] : memref<80x144xf32, #tpu.memory_space<vmem>>[vector<16xi32>, vector<16xi32>], vector<16xf32>,
        %gather3A_162 = tpu.vector_load_idx %arg11[%add3A_157, %broadcast_in_dim3A_159] : memref<80x16xf32, #tpu.memory_space<vmem>>[vector<16xi32>, vector<16xi32>], vector<16xf32>,
        %add3A_163 = arith.addf %gather3A, %gather3A_162 : vector<16xf32>
        %gt3A = arith.constant 0.000000e+00 : f32
        %gt3A_164 = vector.broadcast %gt3A : f32 to vector<16xf32>
        %gt3A_165 = arith.cmpf ogt, %add3A_163, %gt3A_164 : vector<16xf32>
        %mul3A_166 = arith.constant 2.000000e-01 : f32
        %mul3A_167 = vector.broadcast %mul3A_166 : f32 to vector<16xf32>
        %mul3A_168 = arith.mulf %mul3A_167, %add3A_163 : vector<16xf32>
        %select_n3A_169 = arith.select %gt3A_165, %add3A_163, %mul3A_168 : vector<16xi1>, vector<16xf32>
        %exp3A = math.exp %select_n3A_169 : vector<16xf32>
        tpu.vector_store_idx %arg13[%add3A_157, %broadcast_in_dim3A_159], %exp3A : memref<80x16xf32, #tpu.memory_space<vmem>>[vector<16xi32>, vector<16xi32>], vector<16xf32>,
        %broadcast_in_dim3A_170 = arith.constant 1 : i32
        %broadcast_in_dim3A_171 = vector.broadcast %broadcast_in_dim3A_170 : i32 to vector<16xi32>
        %broadcast_in_dim3A_172 = arith.constant 129 : i32
        %broadcast_in_dim3A_173 = vector.broadcast %broadcast_in_dim3A_172 : i32 to vector<16xi32>
        %gather3A_174 = tpu.vector_load_idx %arg9[%add3A_157, %broadcast_in_dim3A_173] : memref<80x144xf32, #tpu.memory_space<vmem>>[vector<16xi32>, vector<16xi32>], vector<16xf32>,
        %gather3A_175 = tpu.vector_load_idx %arg11[%add3A_157, %broadcast_in_dim3A_171] : memref<80x16xf32, #tpu.memory_space<vmem>>[vector<16xi32>, vector<16xi32>], vector<16xf32>,
        %add3A_176 = arith.addf %gather3A_174, %gather3A_175 : vector<16xf32>
        %gt3A_177 = arith.constant 0.000000e+00 : f32
        %gt3A_178 = vector.broadcast %gt3A_177 : f32 to vector<16xf32>
        %gt3A_179 = arith.cmpf ogt, %add3A_176, %gt3A_178 : vector<16xf32>
        %mul3A_180 = arith.constant 2.000000e-01 : f32
        %mul3A_181 = vector.broadcast %mul3A_180 : f32 to vector<16xf32>
        %mul3A_182 = arith.mulf %mul3A_181, %add3A_176 : vector<16xf32>
        %select_n3A_183 = arith.select %gt3A_179, %add3A_176, %mul3A_182 : vector<16xi1>, vector<16xf32>
        %exp3A_184 = math.exp %select_n3A_183 : vector<16xf32>
        tpu.vector_store_idx %arg13[%add3A_157, %broadcast_in_dim3A_171], %exp3A_184 : memref<80x16xf32, #tpu.memory_space<vmem>>[vector<16xi32>, vector<16xi32>], vector<16xf32>,
        %broadcast_in_dim3A_185 = arith.constant 2 : i32
        %broadcast_in_dim3A_186 = vector.broadcast %broadcast_in_dim3A_185 : i32 to vector<16xi32>
        %broadcast_in_dim3A_187 = arith.constant 130 : i32
        %broadcast_in_dim3A_188 = vector.broadcast %broadcast_in_dim3A_187 : i32 to vector<16xi32>
        %gather3A_189 = tpu.vector_load_idx %arg9[%add3A_157, %broadcast_in_dim3A_188] : memref<80x144xf32, #tpu.memory_space<vmem>>[vector<16xi32>, vector<16xi32>], vector<16xf32>,
        %gather3A_190 = tpu.vector_load_idx %arg11[%add3A_157, %broadcast_in_dim3A_186] : memref<80x16xf32, #tpu.memory_space<vmem>>[vector<16xi32>, vector<16xi32>], vector<16xf32>,
        %add3A_191 = arith.addf %gather3A_189, %gather3A_190 : vector<16xf32>
        %gt3A_192 = arith.constant 0.000000e+00 : f32
        %gt3A_193 = vector.broadcast %gt3A_192 : f32 to vector<16xf32>
        %gt3A_194 = arith.cmpf ogt, %add3A_191, %gt3A_193 : vector<16xf32>
        %mul3A_195 = arith.constant 2.000000e-01 : f32
        %mul3A_196 = vector.broadcast %mul3A_195 : f32 to vector<16xf32>
        %mul3A_197 = arith.mulf %mul3A_196, %add3A_191 : vector<16xf32>
        %select_n3A_198 = arith.select %gt3A_194, %add3A_191, %mul3A_197 : vector<16xi1>, vector<16xf32>
        %exp3A_199 = math.exp %select_n3A_198 : vector<16xf32>
        tpu.vector_store_idx %arg13[%add3A_157, %broadcast_in_dim3A_186], %exp3A_199 : memref<80x16xf32, #tpu.memory_space<vmem>>[vector<16xi32>, vector<16xi32>], vector<16xf32>,
        %broadcast_in_dim3A_200 = arith.constant 3 : i32
        %broadcast_in_dim3A_201 = vector.broadcast %broadcast_in_dim3A_200 : i32 to vector<16xi32>
        %broadcast_in_dim3A_202 = arith.constant 131 : i32
        %broadcast_in_dim3A_203 = vector.broadcast %broadcast_in_dim3A_202 : i32 to vector<16xi32>
        %gather3A_204 = tpu.vector_load_idx %arg9[%add3A_157, %broadcast_in_dim3A_203] : memref<80x144xf32, #tpu.memory_space<vmem>>[vector<16xi32>, vector<16xi32>], vector<16xf32>,
        %gather3A_205 = tpu.vector_load_idx %arg11[%add3A_157, %broadcast_in_dim3A_201] : memref<80x16xf32, #tpu.memory_space<vmem>>[vector<16xi32>, vector<16xi32>], vector<16xf32>,
        %add3A_206 = arith.addf %gather3A_204, %gather3A_205 : vector<16xf32>
        %gt3A_207 = arith.constant 0.000000e+00 : f32
        %gt3A_208 = vector.broadcast %gt3A_207 : f32 to vector<16xf32>
        %gt3A_209 = arith.cmpf ogt, %add3A_206, %gt3A_208 : vector<16xf32>
        %mul3A_210 = arith.constant 2.000000e-01 : f32
        %mul3A_211 = vector.broadcast %mul3A_210 : f32 to vector<16xf32>
        %mul3A_212 = arith.mulf %mul3A_211, %add3A_206 : vector<16xf32>
        %select_n3A_213 = arith.select %gt3A_209, %add3A_206, %mul3A_212 : vector<16xi1>, vector<16xf32>
        %exp3A_214 = math.exp %select_n3A_213 : vector<16xf32>
        tpu.vector_store_idx %arg13[%add3A_157, %broadcast_in_dim3A_201], %exp3A_214 : memref<80x16xf32, #tpu.memory_space<vmem>>[vector<16xi32>, vector<16xi32>], vector<16xf32>,
        %scan3A_215 = arith.constant 0 : i32
        scf.yield %scan3A_215 : i32
      }
      %scan3A_101 = arith.constant 5 : i32
      %scan3A_102 = arith.constant 0 : i32
      %scan3A_103 = arith.constant 0 : i32
      %scan3A_104 = arith.constant 80 : i32
      %scan3A_105 = arith.addi %scan3A_103, %scan3A_104 : i32
      %scan3A_106 = arith.constant 1 : i32
      %scan3A_107 = scf.for %scan3A_152 = %scan3A_103 to %scan3A_105 step %scan3A_106 iter_args(%scan3A_153 = %scan3A_102) -> (i32)  : i32 {
        %broadcast_in_dim3A_154 = vector.broadcast %scan3A_152 : i32 to vector<16xi32>
        %broadcast_in_dim3A_155 = arith.constant 0 : i32
        %broadcast_in_dim3A_156 = vector.broadcast %broadcast_in_dim3A_155 : i32 to vector<16xi32>
        %gather3A = tpu.vector_load_idx %arg13[%broadcast_in_dim3A_154, %broadcast_in_dim3A_156] : memref<80x16xf32, #tpu.memory_space<vmem>>[vector<16xi32>, vector<16xi32>], vector<16xf32>,
        %get3A = arith.index_cast %scan3A_152 : i32 to index
        %get3A_157 = arith.constant 0 : index
        %get3A_158 = tpu.vector_load %arg9[%get3A, %get3A_157] {strides = array<i32>} : memref<80x144xf32, #tpu.memory_space<vmem>>, vector<16xf32>,
        %mul3A_159 = arith.mulf %get3A_158, %gather3A : vector<16xf32>
        %swap3A = arith.index_cast %scan3A_152 : i32 to index
        %swap3A_160 = arith.constant 0 : index
        %swap3A_161 = tpu.vector_load %arg9[%swap3A, %swap3A_160] {strides = array<i32>} : memref<80x144xf32, #tpu.memory_space<vmem>>, vector<16xf32>,
        tpu.vector_store %arg9[%swap3A, %swap3A_160], %mul3A_159 {strides = array<i32>} : memref<80x144xf32, #tpu.memory_space<vmem>>, vector<16xf32>,
        %get3A_162 = arith.index_cast %scan3A_152 : i32 to index
        %get3A_163 = arith.constant 16 : index
        %get3A_164 = tpu.vector_load %arg9[%get3A_162, %get3A_163] {strides = array<i32>} : memref<80x144xf32, #tpu.memory_space<vmem>>, vector<16xf32>,
        %mul3A_165 = arith.mulf %get3A_164, %gather3A : vector<16xf32>
        %swap3A_166 = arith.index_cast %scan3A_152 : i32 to index
        %swap3A_167 = arith.constant 16 : index
        %swap3A_168 = tpu.vector_load %arg9[%swap3A_166, %swap3A_167] {strides = array<i32>} : memref<80x144xf32, #tpu.memory_space<vmem>>, vector<16xf32>,
        tpu.vector_store %arg9[%swap3A_166, %swap3A_167], %mul3A_165 {strides = array<i32>} : memref<80x144xf32, #tpu.memory_space<vmem>>, vector<16xf32>,
        %broadcast_in_dim3A_169 = arith.constant 1 : i32
        %broadcast_in_dim3A_170 = vector.broadcast %broadcast_in_dim3A_169 : i32 to vector<16xi32>
        %gather3A_171 = tpu.vector_load_idx %arg13[%broadcast_in_dim3A_154, %broadcast_in_dim3A_170] : memref<80x16xf32, #tpu.memory_space<vmem>>[vector<16xi32>, vector<16xi32>], vector<16xf32>,
        %get3A_172 = arith.index_cast %scan3A_152 : i32 to index
        %get3A_173 = arith.constant 32 : index
        %get3A_174 = tpu.vector_load %arg9[%get3A_172, %get3A_173] {strides = array<i32>} : memref<80x144xf32, #tpu.memory_space<vmem>>, vector<16xf32>,
        %mul3A_175 = arith.mulf %get3A_174, %gather3A_171 : vector<16xf32>
        %swap3A_176 = arith.index_cast %scan3A_152 : i32 to index
        %swap3A_177 = arith.constant 32 : index
        %swap3A_178 = tpu.vector_load %arg9[%swap3A_176, %swap3A_177] {strides = array<i32>} : memref<80x144xf32, #tpu.memory_space<vmem>>, vector<16xf32>,
        tpu.vector_store %arg9[%swap3A_176, %swap3A_177], %mul3A_175 {strides = array<i32>} : memref<80x144xf32, #tpu.memory_space<vmem>>, vector<16xf32>,
        %get3A_179 = arith.index_cast %scan3A_152 : i32 to index
        %get3A_180 = arith.constant 48 : index
        %get3A_181 = tpu.vector_load %arg9[%get3A_179, %get3A_180] {strides = array<i32>} : memref<80x144xf32, #tpu.memory_space<vmem>>, vector<16xf32>,
        %mul3A_182 = arith.mulf %get3A_181, %gather3A_171 : vector<16xf32>
        %swap3A_183 = arith.index_cast %scan3A_152 : i32 to index
        %swap3A_184 = arith.constant 48 : index
        %swap3A_185 = tpu.vector_load %arg9[%swap3A_183, %swap3A_184] {strides = array<i32>} : memref<80x144xf32, #tpu.memory_space<vmem>>, vector<16xf32>,
        tpu.vector_store %arg9[%swap3A_183, %swap3A_184], %mul3A_182 {strides = array<i32>} : memref<80x144xf32, #tpu.memory_space<vmem>>, vector<16xf32>,
        %broadcast_in_dim3A_186 = arith.constant 2 : i32
        %broadcast_in_dim3A_187 = vector.broadcast %broadcast_in_dim3A_186 : i32 to vector<16xi32>
        %gather3A_188 = tpu.vector_load_idx %arg13[%broadcast_in_dim3A_154, %broadcast_in_dim3A_187] : memref<80x16xf32, #tpu.memory_space<vmem>>[vector<16xi32>, vector<16xi32>], vector<16xf32>,
        %get3A_189 = arith.index_cast %scan3A_152 : i32 to index
        %get3A_190 = arith.constant 64 : index
        %get3A_191 = tpu.vector_load %arg9[%get3A_189, %get3A_190] {strides = array<i32>} : memref<80x144xf32, #tpu.memory_space<vmem>>, vector<16xf32>,
        %mul3A_192 = arith.mulf %get3A_191, %gather3A_188 : vector<16xf32>
        %swap3A_193 = arith.index_cast %scan3A_152 : i32 to index
        %swap3A_194 = arith.constant 64 : index
        %swap3A_195 = tpu.vector_load %arg9[%swap3A_193, %swap3A_194] {strides = array<i32>} : memref<80x144xf32, #tpu.memory_space<vmem>>, vector<16xf32>,
        tpu.vector_store %arg9[%swap3A_193, %swap3A_194], %mul3A_192 {strides = array<i32>} : memref<80x144xf32, #tpu.memory_space<vmem>>, vector<16xf32>,
        %get3A_196 = arith.index_cast %scan3A_152 : i32 to index
        %get3A_197 = arith.constant 80 : index
        %get3A_198 = tpu.vector_load %arg9[%get3A_196, %get3A_197] {strides = array<i32>} : memref<80x144xf32, #tpu.memory_space<vmem>>, vector<16xf32>,
        %mul3A_199 = arith.mulf %get3A_198, %gather3A_188 : vector<16xf32>
        %swap3A_200 = arith.index_cast %scan3A_152 : i32 to index
        %swap3A_201 = arith.constant 80 : index
        %swap3A_202 = tpu.vector_load %arg9[%swap3A_200, %swap3A_201] {strides = array<i32>} : memref<80x144xf32, #tpu.memory_space<vmem>>, vector<16xf32>,
        tpu.vector_store %arg9[%swap3A_200, %swap3A_201], %mul3A_199 {strides = array<i32>} : memref<80x144xf32, #tpu.memory_space<vmem>>, vector<16xf32>,
        %broadcast_in_dim3A_203 = arith.constant 3 : i32
        %broadcast_in_dim3A_204 = vector.broadcast %broadcast_in_dim3A_203 : i32 to vector<16xi32>
        %gather3A_205 = tpu.vector_load_idx %arg13[%broadcast_in_dim3A_154, %broadcast_in_dim3A_204] : memref<80x16xf32, #tpu.memory_space<vmem>>[vector<16xi32>, vector<16xi32>], vector<16xf32>,
        %get3A_206 = arith.index_cast %scan3A_152 : i32 to index
        %get3A_207 = arith.constant 96 : index
        %get3A_208 = tpu.vector_load %arg9[%get3A_206, %get3A_207] {strides = array<i32>} : memref<80x144xf32, #tpu.memory_space<vmem>>, vector<16xf32>,
        %mul3A_209 = arith.mulf %get3A_208, %gather3A_205 : vector<16xf32>
        %swap3A_210 = arith.index_cast %scan3A_152 : i32 to index
        %swap3A_211 = arith.constant 96 : index
        %swap3A_212 = tpu.vector_load %arg9[%swap3A_210, %swap3A_211] {strides = array<i32>} : memref<80x144xf32, #tpu.memory_space<vmem>>, vector<16xf32>,
        tpu.vector_store %arg9[%swap3A_210, %swap3A_211], %mul3A_209 {strides = array<i32>} : memref<80x144xf32, #tpu.memory_space<vmem>>, vector<16xf32>,
        %get3A_213 = arith.index_cast %scan3A_152 : i32 to index
        %get3A_214 = arith.constant 112 : index
        %get3A_215 = tpu.vector_load %arg9[%get3A_213, %get3A_214] {strides = array<i32>} : memref<80x144xf32, #tpu.memory_space<vmem>>, vector<16xf32>,
        %mul3A_216 = arith.mulf %get3A_215, %gather3A_205 : vector<16xf32>
        %swap3A_217 = arith.index_cast %scan3A_152 : i32 to index
        %swap3A_218 = arith.constant 112 : index
        %swap3A_219 = tpu.vector_load %arg9[%swap3A_217, %swap3A_218] {strides = array<i32>} : memref<80x144xf32, #tpu.memory_space<vmem>>, vector<16xf32>,
        tpu.vector_store %arg9[%swap3A_217, %swap3A_218], %mul3A_216 {strides = array<i32>} : memref<80x144xf32, #tpu.memory_space<vmem>>, vector<16xf32>,
        %get3A_220 = arith.index_cast %scan3A_152 : i32 to index
        %get3A_221 = arith.constant 0 : index
        %get3A_222 = tpu.vector_load %arg13[%get3A_220, %get3A_221] {strides = array<i32>} : memref<80x16xf32, #tpu.memory_space<vmem>>, vector<16xf32>,
        %swap3A_223 = arith.index_cast %scan3A_152 : i32 to index
        %swap3A_224 = arith.constant 128 : index
        %swap3A_225 = tpu.vector_load %arg9[%swap3A_223, %swap3A_224] {strides = array<i32>} : memref<80x144xf32, #tpu.memory_space<vmem>>, vector<16xf32>,
        tpu.vector_store %arg9[%swap3A_223, %swap3A_224], %get3A_222 {strides = array<i32>} : memref<80x144xf32, #tpu.memory_space<vmem>>, vector<16xf32>,
        %scan3A_226 = arith.constant 0 : i32
        scf.yield %scan3A_226 : i32
      }
      %scan3A_108 = arith.constant 80 : i32
      "tpu.region"() ({
        %run_scoped3A = tpu.sem_alloc : memref<!tpu.dma_semaphore, #tpu.memory_space<semaphore_mem>>
        %dma_start3A_152 = arith.constant 0 : i32
        %dma_start3A_153 = arith.constant 0 : i32
        %dma_start3A_154 = tpu.memref_slice %arg8[%dma_start3A_152, %dma_start3A_153] : memref<10240x144xf32, #tpu.memory_space<vmem_shared>> -> memref<10240x144xf32, #tpu.memory_space<vmem_shared>>
        tpu.enqueue_indirect_dma source(%arg9 : memref<80x144xf32, #tpu.memory_space<vmem>>) target(%dma_start3A_154 : memref<10240x144xf32, #tpu.memory_space<vmem_shared>>) offsets(%arg16 : memref<80xi32, #tpu.memory_space<vmem>>) semaphore(%run_scoped3A : memref<!tpu.dma_semaphore, #tpu.memory_space<semaphore_mem>>) {add = true}
        %dma_wait3A_155 = arith.constant 0 : i32
        %dma_wait3A_156 = arith.constant 0 : i32
        %dma_wait3A_157 = tpu.memref_slice %arg8[%dma_wait3A_155, %dma_wait3A_156] : memref<10240x144xf32, #tpu.memory_space<vmem_shared>> -> memref<10240x144xf32, #tpu.memory_space<vmem_shared>>
        tpu.wait_indirect_dma semaphore(%run_scoped3A : memref<!tpu.dma_semaphore, #tpu.memory_space<semaphore_mem>>) src(%arg9 : memref<80x144xf32, #tpu.memory_space<vmem>>) dst(%dma_wait3A_157 : memref<10240x144xf32, #tpu.memory_space<vmem_shared>>)
        tpu.yield
      }) : () -> ()
      %add3A_109 = arith.constant 2 : i32
      %add3A_110 = arith.addi %mul3A_70, %add3A_109 : i32
      %lt3A = arith.constant 250 : i32
      %lt3A_111 = arith.cmpi slt, %add3A_110, %lt3A : i32
      %add3A_112 = arith.constant 2 : i32
      %add3A_113 = arith.addi %mul3A_70, %add3A_112 : i32
      %select_n3A = arith.constant 0 : i32
      %select_n3A_114 = arith.select %lt3A_111, %add3A_113, %select_n3A : i32
      %mul3A_115 = arith.constant 80 : i32
      %mul3A_116 = arith.muli %select_n3A_114, %mul3A_115 : i32
      %add3A_117 = arith.addi %add3A_27, %mul3A_116 : i32
      "tpu.region"() ({
        %run_scoped3A = tpu.sem_alloc : memref<!tpu.dma_semaphore, #tpu.memory_space<semaphore_mem>>
        %dma_start3A_152 = tpu.memref_slice %arg4[%add3A_117] : memref<640000xi32, #tpu.memory_space<hbm>> -> memref<80xi32, #tpu.memory_space<hbm>>
        %dma_start3A_153 = tpu.memref_slice %arg4[%add3A_117] : memref<640000xi32, #tpu.memory_space<hbm>> -> memref<80xi32, #tpu.memory_space<hbm>>
        tpu.enqueue_dma source(%dma_start3A_153 : memref<80xi32, #tpu.memory_space<hbm>>) target(%arg14 : memref<80xi32, #tpu.memory_space<vmem>>) target_semaphore(%run_scoped3A : memref<!tpu.dma_semaphore, #tpu.memory_space<semaphore_mem>>)
        %dma_wait3A_154 = tpu.memref_slice %arg4[%add3A_117] : memref<640000xi32, #tpu.memory_space<hbm>> -> memref<80xi32, #tpu.memory_space<hbm>>
        %dma_wait3A_155 = tpu.memref_slice %arg4[%add3A_117] : memref<640000xi32, #tpu.memory_space<hbm>> -> memref<80xi32, #tpu.memory_space<hbm>>
        tpu.wait_dma2 semaphore(%run_scoped3A : memref<!tpu.dma_semaphore, #tpu.memory_space<semaphore_mem>>) src(%dma_wait3A_155 : memref<80xi32, #tpu.memory_space<hbm>>) dst(%arg14 : memref<80xi32, #tpu.memory_space<vmem>>)
        tpu.yield
      }) : () -> ()
      "tpu.region"() ({
        %run_scoped3A = tpu.sem_alloc : memref<!tpu.dma_semaphore, #tpu.memory_space<semaphore_mem>>
        %dma_start3A_152 = tpu.memref_slice %arg5[%add3A_117] : memref<640000xi32, #tpu.memory_space<hbm>> -> memref<80xi32, #tpu.memory_space<hbm>>
        %dma_start3A_153 = tpu.memref_slice %arg5[%add3A_117] : memref<640000xi32, #tpu.memory_space<hbm>> -> memref<80xi32, #tpu.memory_space<hbm>>
        tpu.enqueue_dma source(%dma_start3A_153 : memref<80xi32, #tpu.memory_space<hbm>>) target(%arg16 : memref<80xi32, #tpu.memory_space<vmem>>) target_semaphore(%run_scoped3A : memref<!tpu.dma_semaphore, #tpu.memory_space<semaphore_mem>>)
        %dma_wait3A_154 = tpu.memref_slice %arg5[%add3A_117] : memref<640000xi32, #tpu.memory_space<hbm>> -> memref<80xi32, #tpu.memory_space<hbm>>
        %dma_wait3A_155 = tpu.memref_slice %arg5[%add3A_117] : memref<640000xi32, #tpu.memory_space<hbm>> -> memref<80xi32, #tpu.memory_space<hbm>>
        tpu.wait_dma2 semaphore(%run_scoped3A : memref<!tpu.dma_semaphore, #tpu.memory_space<semaphore_mem>>) src(%dma_wait3A_155 : memref<80xi32, #tpu.memory_space<hbm>>) dst(%arg16 : memref<80xi32, #tpu.memory_space<vmem>>)
        tpu.yield
      }) : () -> ()
      %scan3A_118 = arith.constant 0 : i32
      %scan3A_119 = arith.constant 0 : i32
      %scan3A_120 = arith.constant 5 : i32
      %scan3A_121 = arith.addi %scan3A_119, %scan3A_120 : i32
      %scan3A_122 = arith.constant 1 : i32
      %scan3A_123 = scf.for %scan3A_152 = %scan3A_119 to %scan3A_121 step %scan3A_122 iter_args(%scan3A_153 = %scan3A_118) -> (i32)  : i32 {
        %mul3A_154 = arith.constant 16 : i32
        %mul3A_155 = arith.muli %scan3A_152, %mul3A_154 : i32
        %get3A = arith.index_cast %mul3A_155 : i32 to index
        %get3A_156 = tpu.vector_load %arg14[%get3A] {strides = array<i32>} : memref<80xi32, #tpu.memory_space<vmem>>, vector<16xi32>,
        %add3A_157 = vector.broadcast %mul3A_29 : i32 to vector<16xi32>
        %add3A_158 = arith.addi %get3A_156, %add3A_157 : vector<16xi32>
        %swap3A = arith.index_cast %mul3A_155 : i32 to index
        %swap3A_159 = tpu.vector_load %arg14[%swap3A] {strides = array<i32>} : memref<80xi32, #tpu.memory_space<vmem>>, vector<16xi32>,
        tpu.vector_store %arg14[%swap3A], %add3A_158 {strides = array<i32>} : memref<80xi32, #tpu.memory_space<vmem>>, vector<16xi32>,
        %get3A_160 = arith.index_cast %mul3A_155 : i32 to index
        %get3A_161 = tpu.vector_load %arg16[%get3A_160] {strides = array<i32>} : memref<80xi32, #tpu.memory_space<vmem>>, vector<16xi32>,
        %add3A_162 = vector.broadcast %mul3A_29 : i32 to vector<16xi32>
        %add3A_163 = arith.addi %get3A_161, %add3A_162 : vector<16xi32>
        %swap3A_164 = arith.index_cast %mul3A_155 : i32 to index
        %swap3A_165 = tpu.vector_load %arg18[%swap3A_164] {strides = array<i32>} : memref<80xi32, #tpu.memory_space<vmem>>, vector<16xi32>,
        tpu.vector_store %arg18[%swap3A_164], %add3A_163 {strides = array<i32>} : memref<80xi32, #tpu.memory_space<vmem>>, vector<16xi32>,
        %scan3A_166 = arith.constant 0 : i32
        scf.yield %scan3A_166 : i32
      }
      %scan3A_124 = arith.constant 5 : i32
      %dma_start3A_125 = arith.constant 0 : i32
      %dma_start3A_126 = arith.constant 0 : i32
      %dma_start3A_127 = tpu.memref_slice %arg2[%dma_start3A_125, %dma_start3A_126] : memref<20000x144xf32, #tpu.memory_space<hbm>> -> memref<20000x144xf32, #tpu.memory_space<hbm>>
      tpu.enqueue_indirect_dma source(%dma_start3A_127 : memref<20000x144xf32, #tpu.memory_space<hbm>>) target(%arg9 : memref<80x144xf32, #tpu.memory_space<vmem>>) offsets(%arg14 : memref<80xi32, #tpu.memory_space<vmem>>) semaphore(%arg22 : memref<!tpu.dma_semaphore, #tpu.memory_space<semaphore_mem>>)
      %dma_start3A_128 = arith.constant 0 : i32
      %dma_start3A_129 = arith.constant 0 : i32
      %dma_start3A_130 = tpu.memref_slice %arg3[%dma_start3A_128, %dma_start3A_129] : memref<20000x16xf32, #tpu.memory_space<hbm>> -> memref<20000x16xf32, #tpu.memory_space<hbm>>
      tpu.enqueue_indirect_dma source(%dma_start3A_130 : memref<20000x16xf32, #tpu.memory_space<hbm>>) target(%arg11 : memref<80x16xf32, #tpu.memory_space<vmem>>) offsets(%arg18 : memref<80xi32, #tpu.memory_space<vmem>>) semaphore(%arg22 : memref<!tpu.dma_semaphore, #tpu.memory_space<semaphore_mem>>)
      %dma_wait3A_131 = arith.constant 0 : i32
      %dma_wait3A_132 = arith.constant 0 : i32
      %dma_wait3A_133 = tpu.memref_slice %arg2[%dma_wait3A_131, %dma_wait3A_132] : memref<20000x144xf32, #tpu.memory_space<hbm>> -> memref<20000x144xf32, #tpu.memory_space<hbm>>
      tpu.wait_indirect_dma semaphore(%arg23 : memref<!tpu.dma_semaphore, #tpu.memory_space<semaphore_mem>>) src(%dma_wait3A_133 : memref<20000x144xf32, #tpu.memory_space<hbm>>) dst(%arg10 : memref<80x144xf32, #tpu.memory_space<vmem>>)
      %dma_wait3A_134 = arith.constant 0 : i32
      %dma_wait3A_135 = arith.constant 0 : i32
      %dma_wait3A_136 = tpu.memref_slice %arg3[%dma_wait3A_134, %dma_wait3A_135] : memref<20000x16xf32, #tpu.memory_space<hbm>> -> memref<20000x16xf32, #tpu.memory_space<hbm>>
      tpu.wait_indirect_dma semaphore(%arg23 : memref<!tpu.dma_semaphore, #tpu.memory_space<semaphore_mem>>) src(%dma_wait3A_136 : memref<20000x16xf32, #tpu.memory_space<hbm>>) dst(%arg12 : memref<80x16xf32, #tpu.memory_space<vmem>>)
      %scan3A_137 = arith.constant 0 : i32
      %scan3A_138 = arith.constant 0 : i32
      %scan3A_139 = arith.constant 5 : i32
      %scan3A_140 = arith.addi %scan3A_138, %scan3A_139 : i32
      %scan3A_141 = arith.constant 1 : i32
      %scan3A_142 = scf.for %scan3A_152 = %scan3A_138 to %scan3A_140 step %scan3A_141 iter_args(%scan3A_153 = %scan3A_137) -> (i32)  : i32 {
        %mul3A_154 = arith.constant 16 : i32
        %mul3A_155 = arith.muli %scan3A_152, %mul3A_154 : i32
        %add3A_156 = vector.broadcast %mul3A_155 : i32 to vector<16xi32>
        %add3A_157 = arith.addi %add3A_156, %iota3A : vector<16xi32>
        %broadcast_in_dim3A_158 = arith.constant 0 : i32
        %broadcast_in_dim3A_159 = vector.broadcast %broadcast_in_dim3A_158 : i32 to vector<16xi32>
        %broadcast_in_dim3A_160 = arith.constant 128 : i32
        %broadcast_in_dim3A_161 = vector.broadcast %broadcast_in_dim3A_160 : i32 to vector<16xi32>
        %gather3A = tpu.vector_load_idx %arg10[%add3A_157, %broadcast_in_dim3A_161] : memref<80x144xf32, #tpu.memory_space<vmem>>[vector<16xi32>, vector<16xi32>], vector<16xf32>,
        %gather3A_162 = tpu.vector_load_idx %arg12[%add3A_157, %broadcast_in_dim3A_159] : memref<80x16xf32, #tpu.memory_space<vmem>>[vector<16xi32>, vector<16xi32>], vector<16xf32>,
        %add3A_163 = arith.addf %gather3A, %gather3A_162 : vector<16xf32>
        %gt3A = arith.constant 0.000000e+00 : f32
        %gt3A_164 = vector.broadcast %gt3A : f32 to vector<16xf32>
        %gt3A_165 = arith.cmpf ogt, %add3A_163, %gt3A_164 : vector<16xf32>
        %mul3A_166 = arith.constant 2.000000e-01 : f32
        %mul3A_167 = vector.broadcast %mul3A_166 : f32 to vector<16xf32>
        %mul3A_168 = arith.mulf %mul3A_167, %add3A_163 : vector<16xf32>
        %select_n3A_169 = arith.select %gt3A_165, %add3A_163, %mul3A_168 : vector<16xi1>, vector<16xf32>
        %exp3A = math.exp %select_n3A_169 : vector<16xf32>
        tpu.vector_store_idx %arg13[%add3A_157, %broadcast_in_dim3A_159], %exp3A : memref<80x16xf32, #tpu.memory_space<vmem>>[vector<16xi32>, vector<16xi32>], vector<16xf32>,
        %broadcast_in_dim3A_170 = arith.constant 1 : i32
        %broadcast_in_dim3A_171 = vector.broadcast %broadcast_in_dim3A_170 : i32 to vector<16xi32>
        %broadcast_in_dim3A_172 = arith.constant 129 : i32
        %broadcast_in_dim3A_173 = vector.broadcast %broadcast_in_dim3A_172 : i32 to vector<16xi32>
        %gather3A_174 = tpu.vector_load_idx %arg10[%add3A_157, %broadcast_in_dim3A_173] : memref<80x144xf32, #tpu.memory_space<vmem>>[vector<16xi32>, vector<16xi32>], vector<16xf32>,
        %gather3A_175 = tpu.vector_load_idx %arg12[%add3A_157, %broadcast_in_dim3A_171] : memref<80x16xf32, #tpu.memory_space<vmem>>[vector<16xi32>, vector<16xi32>], vector<16xf32>,
        %add3A_176 = arith.addf %gather3A_174, %gather3A_175 : vector<16xf32>
        %gt3A_177 = arith.constant 0.000000e+00 : f32
        %gt3A_178 = vector.broadcast %gt3A_177 : f32 to vector<16xf32>
        %gt3A_179 = arith.cmpf ogt, %add3A_176, %gt3A_178 : vector<16xf32>
        %mul3A_180 = arith.constant 2.000000e-01 : f32
        %mul3A_181 = vector.broadcast %mul3A_180 : f32 to vector<16xf32>
        %mul3A_182 = arith.mulf %mul3A_181, %add3A_176 : vector<16xf32>
        %select_n3A_183 = arith.select %gt3A_179, %add3A_176, %mul3A_182 : vector<16xi1>, vector<16xf32>
        %exp3A_184 = math.exp %select_n3A_183 : vector<16xf32>
        tpu.vector_store_idx %arg13[%add3A_157, %broadcast_in_dim3A_171], %exp3A_184 : memref<80x16xf32, #tpu.memory_space<vmem>>[vector<16xi32>, vector<16xi32>], vector<16xf32>,
        %broadcast_in_dim3A_185 = arith.constant 2 : i32
        %broadcast_in_dim3A_186 = vector.broadcast %broadcast_in_dim3A_185 : i32 to vector<16xi32>
        %broadcast_in_dim3A_187 = arith.constant 130 : i32
        %broadcast_in_dim3A_188 = vector.broadcast %broadcast_in_dim3A_187 : i32 to vector<16xi32>
        %gather3A_189 = tpu.vector_load_idx %arg10[%add3A_157, %broadcast_in_dim3A_188] : memref<80x144xf32, #tpu.memory_space<vmem>>[vector<16xi32>, vector<16xi32>], vector<16xf32>,
        %gather3A_190 = tpu.vector_load_idx %arg12[%add3A_157, %broadcast_in_dim3A_186] : memref<80x16xf32, #tpu.memory_space<vmem>>[vector<16xi32>, vector<16xi32>], vector<16xf32>,
        %add3A_191 = arith.addf %gather3A_189, %gather3A_190 : vector<16xf32>
        %gt3A_192 = arith.constant 0.000000e+00 : f32
        %gt3A_193 = vector.broadcast %gt3A_192 : f32 to vector<16xf32>
        %gt3A_194 = arith.cmpf ogt, %add3A_191, %gt3A_193 : vector<16xf32>
        %mul3A_195 = arith.constant 2.000000e-01 : f32
        %mul3A_196 = vector.broadcast %mul3A_195 : f32 to vector<16xf32>
        %mul3A_197 = arith.mulf %mul3A_196, %add3A_191 : vector<16xf32>
        %select_n3A_198 = arith.select %gt3A_194, %add3A_191, %mul3A_197 : vector<16xi1>, vector<16xf32>
        %exp3A_199 = math.exp %select_n3A_198 : vector<16xf32>
        tpu.vector_store_idx %arg13[%add3A_157, %broadcast_in_dim3A_186], %exp3A_199 : memref<80x16xf32, #tpu.memory_space<vmem>>[vector<16xi32>, vector<16xi32>], vector<16xf32>,
        %broadcast_in_dim3A_200 = arith.constant 3 : i32
        %broadcast_in_dim3A_201 = vector.broadcast %broadcast_in_dim3A_200 : i32 to vector<16xi32>
        %broadcast_in_dim3A_202 = arith.constant 131 : i32
        %broadcast_in_dim3A_203 = vector.broadcast %broadcast_in_dim3A_202 : i32 to vector<16xi32>
        %gather3A_204 = tpu.vector_load_idx %arg10[%add3A_157, %broadcast_in_dim3A_203] : memref<80x144xf32, #tpu.memory_space<vmem>>[vector<16xi32>, vector<16xi32>], vector<16xf32>,
        %gather3A_205 = tpu.vector_load_idx %arg12[%add3A_157, %broadcast_in_dim3A_201] : memref<80x16xf32, #tpu.memory_space<vmem>>[vector<16xi32>, vector<16xi32>], vector<16xf32>,
        %add3A_206 = arith.addf %gather3A_204, %gather3A_205 : vector<16xf32>
        %gt3A_207 = arith.constant 0.000000e+00 : f32
        %gt3A_208 = vector.broadcast %gt3A_207 : f32 to vector<16xf32>
        %gt3A_209 = arith.cmpf ogt, %add3A_206, %gt3A_208 : vector<16xf32>
        %mul3A_210 = arith.constant 2.000000e-01 : f32
        %mul3A_211 = vector.broadcast %mul3A_210 : f32 to vector<16xf32>
        %mul3A_212 = arith.mulf %mul3A_211, %add3A_206 : vector<16xf32>
        %select_n3A_213 = arith.select %gt3A_209, %add3A_206, %mul3A_212 : vector<16xi1>, vector<16xf32>
        %exp3A_214 = math.exp %select_n3A_213 : vector<16xf32>
        tpu.vector_store_idx %arg13[%add3A_157, %broadcast_in_dim3A_201], %exp3A_214 : memref<80x16xf32, #tpu.memory_space<vmem>>[vector<16xi32>, vector<16xi32>], vector<16xf32>,
        %scan3A_215 = arith.constant 0 : i32
        scf.yield %scan3A_215 : i32
      }
      %scan3A_143 = arith.constant 5 : i32
      %scan3A_144 = arith.constant 0 : i32
      %scan3A_145 = arith.constant 0 : i32
      %scan3A_146 = arith.constant 80 : i32
      %scan3A_147 = arith.addi %scan3A_145, %scan3A_146 : i32
      %scan3A_148 = arith.constant 1 : i32
      %scan3A_149 = scf.for %scan3A_152 = %scan3A_145 to %scan3A_147 step %scan3A_148 iter_args(%scan3A_153 = %scan3A_144) -> (i32)  : i32 {
        %broadcast_in_dim3A_154 = vector.broadcast %scan3A_152 : i32 to vector<16xi32>
        %broadcast_in_dim3A_155 = arith.constant 0 : i32
        %broadcast_in_dim3A_156 = vector.broadcast %broadcast_in_dim3A_155 : i32 to vector<16xi32>
        %gather3A = tpu.vector_load_idx %arg13[%broadcast_in_dim3A_154, %broadcast_in_dim3A_156] : memref<80x16xf32, #tpu.memory_space<vmem>>[vector<16xi32>, vector<16xi32>], vector<16xf32>,
        %get3A = arith.index_cast %scan3A_152 : i32 to index
        %get3A_157 = arith.constant 0 : index
        %get3A_158 = tpu.vector_load %arg10[%get3A, %get3A_157] {strides = array<i32>} : memref<80x144xf32, #tpu.memory_space<vmem>>, vector<16xf32>,
        %mul3A_159 = arith.mulf %get3A_158, %gather3A : vector<16xf32>
        %swap3A = arith.index_cast %scan3A_152 : i32 to index
        %swap3A_160 = arith.constant 0 : index
        %swap3A_161 = tpu.vector_load %arg10[%swap3A, %swap3A_160] {strides = array<i32>} : memref<80x144xf32, #tpu.memory_space<vmem>>, vector<16xf32>,
        tpu.vector_store %arg10[%swap3A, %swap3A_160], %mul3A_159 {strides = array<i32>} : memref<80x144xf32, #tpu.memory_space<vmem>>, vector<16xf32>,
        %get3A_162 = arith.index_cast %scan3A_152 : i32 to index
        %get3A_163 = arith.constant 16 : index
        %get3A_164 = tpu.vector_load %arg10[%get3A_162, %get3A_163] {strides = array<i32>} : memref<80x144xf32, #tpu.memory_space<vmem>>, vector<16xf32>,
        %mul3A_165 = arith.mulf %get3A_164, %gather3A : vector<16xf32>
        %swap3A_166 = arith.index_cast %scan3A_152 : i32 to index
        %swap3A_167 = arith.constant 16 : index
        %swap3A_168 = tpu.vector_load %arg10[%swap3A_166, %swap3A_167] {strides = array<i32>} : memref<80x144xf32, #tpu.memory_space<vmem>>, vector<16xf32>,
        tpu.vector_store %arg10[%swap3A_166, %swap3A_167], %mul3A_165 {strides = array<i32>} : memref<80x144xf32, #tpu.memory_space<vmem>>, vector<16xf32>,
        %broadcast_in_dim3A_169 = arith.constant 1 : i32
        %broadcast_in_dim3A_170 = vector.broadcast %broadcast_in_dim3A_169 : i32 to vector<16xi32>
        %gather3A_171 = tpu.vector_load_idx %arg13[%broadcast_in_dim3A_154, %broadcast_in_dim3A_170] : memref<80x16xf32, #tpu.memory_space<vmem>>[vector<16xi32>, vector<16xi32>], vector<16xf32>,
        %get3A_172 = arith.index_cast %scan3A_152 : i32 to index
        %get3A_173 = arith.constant 32 : index
        %get3A_174 = tpu.vector_load %arg10[%get3A_172, %get3A_173] {strides = array<i32>} : memref<80x144xf32, #tpu.memory_space<vmem>>, vector<16xf32>,
        %mul3A_175 = arith.mulf %get3A_174, %gather3A_171 : vector<16xf32>
        %swap3A_176 = arith.index_cast %scan3A_152 : i32 to index
        %swap3A_177 = arith.constant 32 : index
        %swap3A_178 = tpu.vector_load %arg10[%swap3A_176, %swap3A_177] {strides = array<i32>} : memref<80x144xf32, #tpu.memory_space<vmem>>, vector<16xf32>,
        tpu.vector_store %arg10[%swap3A_176, %swap3A_177], %mul3A_175 {strides = array<i32>} : memref<80x144xf32, #tpu.memory_space<vmem>>, vector<16xf32>,
        %get3A_179 = arith.index_cast %scan3A_152 : i32 to index
        %get3A_180 = arith.constant 48 : index
        %get3A_181 = tpu.vector_load %arg10[%get3A_179, %get3A_180] {strides = array<i32>} : memref<80x144xf32, #tpu.memory_space<vmem>>, vector<16xf32>,
        %mul3A_182 = arith.mulf %get3A_181, %gather3A_171 : vector<16xf32>
        %swap3A_183 = arith.index_cast %scan3A_152 : i32 to index
        %swap3A_184 = arith.constant 48 : index
        %swap3A_185 = tpu.vector_load %arg10[%swap3A_183, %swap3A_184] {strides = array<i32>} : memref<80x144xf32, #tpu.memory_space<vmem>>, vector<16xf32>,
        tpu.vector_store %arg10[%swap3A_183, %swap3A_184], %mul3A_182 {strides = array<i32>} : memref<80x144xf32, #tpu.memory_space<vmem>>, vector<16xf32>,
        %broadcast_in_dim3A_186 = arith.constant 2 : i32
        %broadcast_in_dim3A_187 = vector.broadcast %broadcast_in_dim3A_186 : i32 to vector<16xi32>
        %gather3A_188 = tpu.vector_load_idx %arg13[%broadcast_in_dim3A_154, %broadcast_in_dim3A_187] : memref<80x16xf32, #tpu.memory_space<vmem>>[vector<16xi32>, vector<16xi32>], vector<16xf32>,
        %get3A_189 = arith.index_cast %scan3A_152 : i32 to index
        %get3A_190 = arith.constant 64 : index
        %get3A_191 = tpu.vector_load %arg10[%get3A_189, %get3A_190] {strides = array<i32>} : memref<80x144xf32, #tpu.memory_space<vmem>>, vector<16xf32>,
        %mul3A_192 = arith.mulf %get3A_191, %gather3A_188 : vector<16xf32>
        %swap3A_193 = arith.index_cast %scan3A_152 : i32 to index
        %swap3A_194 = arith.constant 64 : index
        %swap3A_195 = tpu.vector_load %arg10[%swap3A_193, %swap3A_194] {strides = array<i32>} : memref<80x144xf32, #tpu.memory_space<vmem>>, vector<16xf32>,
        tpu.vector_store %arg10[%swap3A_193, %swap3A_194], %mul3A_192 {strides = array<i32>} : memref<80x144xf32, #tpu.memory_space<vmem>>, vector<16xf32>,
        %get3A_196 = arith.index_cast %scan3A_152 : i32 to index
        %get3A_197 = arith.constant 80 : index
        %get3A_198 = tpu.vector_load %arg10[%get3A_196, %get3A_197] {strides = array<i32>} : memref<80x144xf32, #tpu.memory_space<vmem>>, vector<16xf32>,
        %mul3A_199 = arith.mulf %get3A_198, %gather3A_188 : vector<16xf32>
        %swap3A_200 = arith.index_cast %scan3A_152 : i32 to index
        %swap3A_201 = arith.constant 80 : index
        %swap3A_202 = tpu.vector_load %arg10[%swap3A_200, %swap3A_201] {strides = array<i32>} : memref<80x144xf32, #tpu.memory_space<vmem>>, vector<16xf32>,
        tpu.vector_store %arg10[%swap3A_200, %swap3A_201], %mul3A_199 {strides = array<i32>} : memref<80x144xf32, #tpu.memory_space<vmem>>, vector<16xf32>,
        %broadcast_in_dim3A_203 = arith.constant 3 : i32
        %broadcast_in_dim3A_204 = vector.broadcast %broadcast_in_dim3A_203 : i32 to vector<16xi32>
        %gather3A_205 = tpu.vector_load_idx %arg13[%broadcast_in_dim3A_154, %broadcast_in_dim3A_204] : memref<80x16xf32, #tpu.memory_space<vmem>>[vector<16xi32>, vector<16xi32>], vector<16xf32>,
        %get3A_206 = arith.index_cast %scan3A_152 : i32 to index
        %get3A_207 = arith.constant 96 : index
        %get3A_208 = tpu.vector_load %arg10[%get3A_206, %get3A_207] {strides = array<i32>} : memref<80x144xf32, #tpu.memory_space<vmem>>, vector<16xf32>,
        %mul3A_209 = arith.mulf %get3A_208, %gather3A_205 : vector<16xf32>
        %swap3A_210 = arith.index_cast %scan3A_152 : i32 to index
        %swap3A_211 = arith.constant 96 : index
        %swap3A_212 = tpu.vector_load %arg10[%swap3A_210, %swap3A_211] {strides = array<i32>} : memref<80x144xf32, #tpu.memory_space<vmem>>, vector<16xf32>,
        tpu.vector_store %arg10[%swap3A_210, %swap3A_211], %mul3A_209 {strides = array<i32>} : memref<80x144xf32, #tpu.memory_space<vmem>>, vector<16xf32>,
        %get3A_213 = arith.index_cast %scan3A_152 : i32 to index
        %get3A_214 = arith.constant 112 : index
        %get3A_215 = tpu.vector_load %arg10[%get3A_213, %get3A_214] {strides = array<i32>} : memref<80x144xf32, #tpu.memory_space<vmem>>, vector<16xf32>,
        %mul3A_216 = arith.mulf %get3A_215, %gather3A_205 : vector<16xf32>
        %swap3A_217 = arith.index_cast %scan3A_152 : i32 to index
        %swap3A_218 = arith.constant 112 : index
        %swap3A_219 = tpu.vector_load %arg10[%swap3A_217, %swap3A_218] {strides = array<i32>} : memref<80x144xf32, #tpu.memory_space<vmem>>, vector<16xf32>,
        tpu.vector_store %arg10[%swap3A_217, %swap3A_218], %mul3A_216 {strides = array<i32>} : memref<80x144xf32, #tpu.memory_space<vmem>>, vector<16xf32>,
        %get3A_220 = arith.index_cast %scan3A_152 : i32 to index
        %get3A_221 = arith.constant 0 : index
        %get3A_222 = tpu.vector_load %arg13[%get3A_220, %get3A_221] {strides = array<i32>} : memref<80x16xf32, #tpu.memory_space<vmem>>, vector<16xf32>,
        %swap3A_223 = arith.index_cast %scan3A_152 : i32 to index
        %swap3A_224 = arith.constant 128 : index
        %swap3A_225 = tpu.vector_load %arg10[%swap3A_223, %swap3A_224] {strides = array<i32>} : memref<80x144xf32, #tpu.memory_space<vmem>>, vector<16xf32>,
        tpu.vector_store %arg10[%swap3A_223, %swap3A_224], %get3A_222 {strides = array<i32>} : memref<80x144xf32, #tpu.memory_space<vmem>>, vector<16xf32>,
        %scan3A_226 = arith.constant 0 : i32
        scf.yield %scan3A_226 : i32
      }
      %scan3A_150 = arith.constant 80 : i32
      "tpu.region"() ({
        %run_scoped3A = tpu.sem_alloc : memref<!tpu.dma_semaphore, #tpu.memory_space<semaphore_mem>>
        %dma_start3A_152 = arith.constant 0 : i32
        %dma_start3A_153 = arith.constant 0 : i32
        %dma_start3A_154 = tpu.memref_slice %arg8[%dma_start3A_152, %dma_start3A_153] : memref<10240x144xf32, #tpu.memory_space<vmem_shared>> -> memref<10240x144xf32, #tpu.memory_space<vmem_shared>>
        tpu.enqueue_indirect_dma source(%arg10 : memref<80x144xf32, #tpu.memory_space<vmem>>) target(%dma_start3A_154 : memref<10240x144xf32, #tpu.memory_space<vmem_shared>>) offsets(%arg17 : memref<80xi32, #tpu.memory_space<vmem>>) semaphore(%run_scoped3A : memref<!tpu.dma_semaphore, #tpu.memory_space<semaphore_mem>>) {add = true}
        %dma_wait3A_155 = arith.constant 0 : i32
        %dma_wait3A_156 = arith.constant 0 : i32
        %dma_wait3A_157 = tpu.memref_slice %arg8[%dma_wait3A_155, %dma_wait3A_156] : memref<10240x144xf32, #tpu.memory_space<vmem_shared>> -> memref<10240x144xf32, #tpu.memory_space<vmem_shared>>
        tpu.wait_indirect_dma semaphore(%run_scoped3A : memref<!tpu.dma_semaphore, #tpu.memory_space<semaphore_mem>>) src(%arg10 : memref<80x144xf32, #tpu.memory_space<vmem>>) dst(%dma_wait3A_157 : memref<10240x144xf32, #tpu.memory_space<vmem_shared>>)
        tpu.yield
      }) : () -> ()
      %scan3A_151 = arith.constant 0 : i32
      scf.yield %scan3A_151 : i32
    }
    %scan3A_50 = arith.constant 125 : i32
    %dma_wait3A = arith.constant 0 : i32
    %dma_wait3A_51 = arith.constant 0 : i32
    %dma_wait3A_52 = tpu.memref_slice %arg2[%dma_wait3A, %dma_wait3A_51] : memref<20000x144xf32, #tpu.memory_space<hbm>> -> memref<20000x144xf32, #tpu.memory_space<hbm>>
    tpu.wait_indirect_dma semaphore(%arg22 : memref<!tpu.dma_semaphore, #tpu.memory_space<semaphore_mem>>) src(%dma_wait3A_52 : memref<20000x144xf32, #tpu.memory_space<hbm>>) dst(%arg9 : memref<80x144xf32, #tpu.memory_space<vmem>>)
    %dma_wait3A_53 = arith.constant 0 : i32
    %dma_wait3A_54 = arith.constant 0 : i32
    %dma_wait3A_55 = tpu.memref_slice %arg3[%dma_wait3A_53, %dma_wait3A_54] : memref<20000x16xf32, #tpu.memory_space<hbm>> -> memref<20000x16xf32, #tpu.memory_space<hbm>>
    tpu.wait_indirect_dma semaphore(%arg22 : memref<!tpu.dma_semaphore, #tpu.memory_space<semaphore_mem>>) src(%dma_wait3A_55 : memref<20000x16xf32, #tpu.memory_space<hbm>>) dst(%arg11 : memref<80x16xf32, #tpu.memory_space<vmem>>)
    %barrier3A_56 = arith.constant 0 : index
    tpu.barrier barrier_id(%barrier3A_56)
    %sub3A = arith.constant 1 : i32
    %sub3A_57 = arith.subi %sub3A, %arg0 : i32
    %mul3A_58 = arith.constant 10240 : i32
    %mul3A_59 = arith.muli %sub3A_57, %mul3A_58 : i32
    %scan3A_60 = arith.constant 0 : i32
    %scan3A_61 = arith.constant 0 : i32
    %scan3A_62 = arith.constant 20 : i32
    %scan3A_63 = arith.addi %scan3A_61, %scan3A_62 : i32
    %scan3A_64 = arith.constant 1 : i32
    %scan3A_65 = scf.for %scan3A_67 = %scan3A_61 to %scan3A_63 step %scan3A_64 iter_args(%scan3A_68 = %scan3A_60) -> (i32)  : i32 {
      %mul3A_69 = arith.constant 32 : i32
      %mul3A_70 = arith.muli %scan3A_67, %mul3A_69 : i32
      %add3A_71 = arith.addi %mul3A_7, %mul3A_70 : i32
      "tpu.region"() ({
        %run_scoped3A = tpu.sem_alloc : memref<!tpu.dma_semaphore, #tpu.memory_space<semaphore_mem>>
        %dma_start3A_84 = arith.constant 0 : i32
        %dma_start3A_85 = tpu.memref_slice %arg8[%add3A_71, %dma_start3A_84] : memref<10240x144xf32, #tpu.memory_space<vmem_shared>> -> memref<32x144xf32, #tpu.memory_space<vmem_shared>>
        %dma_start3A_86 = arith.constant 0 : i32
        %dma_start3A_87 = tpu.memref_slice %arg8[%add3A_71, %dma_start3A_86] : memref<10240x144xf32, #tpu.memory_space<vmem_shared>> -> memref<32x144xf32, #tpu.memory_space<vmem_shared>>
        tpu.enqueue_dma source(%dma_start3A_87 : memref<32x144xf32, #tpu.memory_space<vmem_shared>>) target(%arg20 : memref<32x144xf32, #tpu.memory_space<vmem>>) target_semaphore(%run_scoped3A : memref<!tpu.dma_semaphore, #tpu.memory_space<semaphore_mem>>)
        %dma_wait3A_88 = arith.constant 0 : i32
        %dma_wait3A_89 = tpu.memref_slice %arg8[%add3A_71, %dma_wait3A_88] : memref<10240x144xf32, #tpu.memory_space<vmem_shared>> -> memref<32x144xf32, #tpu.memory_space<vmem_shared>>
        %dma_wait3A_90 = arith.constant 0 : i32
        %dma_wait3A_91 = tpu.memref_slice %arg8[%add3A_71, %dma_wait3A_90] : memref<10240x144xf32, #tpu.memory_space<vmem_shared>> -> memref<32x144xf32, #tpu.memory_space<vmem_shared>>
        tpu.wait_dma2 semaphore(%run_scoped3A : memref<!tpu.dma_semaphore, #tpu.memory_space<semaphore_mem>>) src(%dma_wait3A_91 : memref<32x144xf32, #tpu.memory_space<vmem_shared>>) dst(%arg20 : memref<32x144xf32, #tpu.memory_space<vmem>>)
        tpu.yield
      }) : () -> ()
      %mul3A_72 = arith.constant 10240 : i32
      %mul3A_73 = arith.muli %arg0, %mul3A_72 : i32
      %add3A_74 = arith.addi %mul3A_73, %add3A_71 : i32
      "tpu.region"() ({
        %run_scoped3A = tpu.sem_alloc : memref<!tpu.dma_semaphore, #tpu.memory_space<semaphore_mem>>
        %dma_start3A_84 = arith.constant 0 : i32
        %dma_start3A_85 = tpu.memref_slice %arg6[%add3A_74, %dma_start3A_84] : memref<20480x128xf32, #tpu.memory_space<hbm>> -> memref<32x128xf32, #tpu.memory_space<hbm>>
        %dma_start3A_86 = arith.constant 0 : i32
        %dma_start3A_87 = tpu.memref_slice %arg6[%add3A_74, %dma_start3A_86] : memref<20480x128xf32, #tpu.memory_space<hbm>> -> memref<32x128xf32, #tpu.memory_space<hbm>>
        tpu.enqueue_dma source(%dma_start3A_87 : memref<32x128xf32, #tpu.memory_space<hbm>>) target(%arg21 : memref<32x128xf32, #tpu.memory_space<vmem>>) target_semaphore(%run_scoped3A : memref<!tpu.dma_semaphore, #tpu.memory_space<semaphore_mem>>)
        %dma_wait3A_88 = arith.constant 0 : i32
        %dma_wait3A_89 = tpu.memref_slice %arg6[%add3A_74, %dma_wait3A_88] : memref<20480x128xf32, #tpu.memory_space<hbm>> -> memref<32x128xf32, #tpu.memory_space<hbm>>
        %dma_wait3A_90 = arith.constant 0 : i32
        %dma_wait3A_91 = tpu.memref_slice %arg6[%add3A_74, %dma_wait3A_90] : memref<20480x128xf32, #tpu.memory_space<hbm>> -> memref<32x128xf32, #tpu.memory_space<hbm>>
        tpu.wait_dma2 semaphore(%run_scoped3A : memref<!tpu.dma_semaphore, #tpu.memory_space<semaphore_mem>>) src(%dma_wait3A_91 : memref<32x128xf32, #tpu.memory_space<hbm>>) dst(%arg21 : memref<32x128xf32, #tpu.memory_space<vmem>>)
        tpu.yield
      }) : () -> ()
      %scan3A_75 = arith.constant 0 : i32
      %scan3A_76 = arith.constant 0 : i32
      %scan3A_77 = arith.constant 32 : i32
      %scan3A_78 = arith.addi %scan3A_76, %scan3A_77 : i32
      %scan3A_79 = arith.constant 1 : i32
      %scan3A_80 = scf.for %scan3A_84 = %scan3A_76 to %scan3A_78 step %scan3A_79 iter_args(%scan3A_85 = %scan3A_75) -> (i32)  : i32 {
        %broadcast_in_dim3A_86 = vector.broadcast %scan3A_84 : i32 to vector<16xi32>
        %broadcast_in_dim3A_87 = arith.constant 128 : i32
        %broadcast_in_dim3A_88 = vector.broadcast %broadcast_in_dim3A_87 : i32 to vector<16xi32>
        %gather3A = tpu.vector_load_idx %arg20[%broadcast_in_dim3A_86, %broadcast_in_dim3A_88] : memref<32x144xf32, #tpu.memory_space<vmem>>[vector<16xi32>, vector<16xi32>], vector<16xf32>,
        %add3A_89 = arith.constant 9.99999971E-10 : f32
        %add3A_90 = vector.broadcast %add3A_89 : f32 to vector<16xf32>
        %add3A_91 = arith.addf %gather3A, %add3A_90 : vector<16xf32>
        %get3A = arith.index_cast %scan3A_84 : i32 to index
        %get3A_92 = arith.constant 0 : index
        %get3A_93 = tpu.vector_load %arg20[%get3A, %get3A_92] {strides = array<i32>} : memref<32x144xf32, #tpu.memory_space<vmem>>, vector<16xf32>,
        %div3A = arith.divf %get3A_93, %add3A_91 : vector<16xf32>
        %get3A_94 = arith.index_cast %scan3A_84 : i32 to index
        %get3A_95 = arith.constant 0 : index
        %get3A_96 = tpu.vector_load %arg21[%get3A_94, %get3A_95] {strides = array<i32>} : memref<32x128xf32, #tpu.memory_space<vmem>>, vector<16xf32>,
        %add3A_97 = arith.addf %div3A, %get3A_96 : vector<16xf32>
        %swap3A = arith.index_cast %scan3A_84 : i32 to index
        %swap3A_98 = arith.constant 0 : index
        %swap3A_99 = tpu.vector_load %arg21[%swap3A, %swap3A_98] {strides = array<i32>} : memref<32x128xf32, #tpu.memory_space<vmem>>, vector<16xf32>,
        tpu.vector_store %arg21[%swap3A, %swap3A_98], %add3A_97 {strides = array<i32>} : memref<32x128xf32, #tpu.memory_space<vmem>>, vector<16xf32>,
        %get3A_100 = arith.index_cast %scan3A_84 : i32 to index
        %get3A_101 = arith.constant 16 : index
        %get3A_102 = tpu.vector_load %arg20[%get3A_100, %get3A_101] {strides = array<i32>} : memref<32x144xf32, #tpu.memory_space<vmem>>, vector<16xf32>,
        %div3A_103 = arith.divf %get3A_102, %add3A_91 : vector<16xf32>
        %get3A_104 = arith.index_cast %scan3A_84 : i32 to index
        %get3A_105 = arith.constant 16 : index
        %get3A_106 = tpu.vector_load %arg21[%get3A_104, %get3A_105] {strides = array<i32>} : memref<32x128xf32, #tpu.memory_space<vmem>>, vector<16xf32>,
        %add3A_107 = arith.addf %div3A_103, %get3A_106 : vector<16xf32>
        %swap3A_108 = arith.index_cast %scan3A_84 : i32 to index
        %swap3A_109 = arith.constant 16 : index
        %swap3A_110 = tpu.vector_load %arg21[%swap3A_108, %swap3A_109] {strides = array<i32>} : memref<32x128xf32, #tpu.memory_space<vmem>>, vector<16xf32>,
        tpu.vector_store %arg21[%swap3A_108, %swap3A_109], %add3A_107 {strides = array<i32>} : memref<32x128xf32, #tpu.memory_space<vmem>>, vector<16xf32>,
        %broadcast_in_dim3A_111 = arith.constant 129 : i32
        %broadcast_in_dim3A_112 = vector.broadcast %broadcast_in_dim3A_111 : i32 to vector<16xi32>
        %gather3A_113 = tpu.vector_load_idx %arg20[%broadcast_in_dim3A_86, %broadcast_in_dim3A_112] : memref<32x144xf32, #tpu.memory_space<vmem>>[vector<16xi32>, vector<16xi32>], vector<16xf32>,
        %add3A_114 = arith.constant 9.99999971E-10 : f32
        %add3A_115 = vector.broadcast %add3A_114 : f32 to vector<16xf32>
        %add3A_116 = arith.addf %gather3A_113, %add3A_115 : vector<16xf32>
        %get3A_117 = arith.index_cast %scan3A_84 : i32 to index
        %get3A_118 = arith.constant 32 : index
        %get3A_119 = tpu.vector_load %arg20[%get3A_117, %get3A_118] {strides = array<i32>} : memref<32x144xf32, #tpu.memory_space<vmem>>, vector<16xf32>,
        %div3A_120 = arith.divf %get3A_119, %add3A_116 : vector<16xf32>
        %get3A_121 = arith.index_cast %scan3A_84 : i32 to index
        %get3A_122 = arith.constant 32 : index
        %get3A_123 = tpu.vector_load %arg21[%get3A_121, %get3A_122] {strides = array<i32>} : memref<32x128xf32, #tpu.memory_space<vmem>>, vector<16xf32>,
        %add3A_124 = arith.addf %div3A_120, %get3A_123 : vector<16xf32>
        %swap3A_125 = arith.index_cast %scan3A_84 : i32 to index
        %swap3A_126 = arith.constant 32 : index
        %swap3A_127 = tpu.vector_load %arg21[%swap3A_125, %swap3A_126] {strides = array<i32>} : memref<32x128xf32, #tpu.memory_space<vmem>>, vector<16xf32>,
        tpu.vector_store %arg21[%swap3A_125, %swap3A_126], %add3A_124 {strides = array<i32>} : memref<32x128xf32, #tpu.memory_space<vmem>>, vector<16xf32>,
        %get3A_128 = arith.index_cast %scan3A_84 : i32 to index
        %get3A_129 = arith.constant 48 : index
        %get3A_130 = tpu.vector_load %arg20[%get3A_128, %get3A_129] {strides = array<i32>} : memref<32x144xf32, #tpu.memory_space<vmem>>, vector<16xf32>,
        %div3A_131 = arith.divf %get3A_130, %add3A_116 : vector<16xf32>
        %get3A_132 = arith.index_cast %scan3A_84 : i32 to index
        %get3A_133 = arith.constant 48 : index
        %get3A_134 = tpu.vector_load %arg21[%get3A_132, %get3A_133] {strides = array<i32>} : memref<32x128xf32, #tpu.memory_space<vmem>>, vector<16xf32>,
        %add3A_135 = arith.addf %div3A_131, %get3A_134 : vector<16xf32>
        %swap3A_136 = arith.index_cast %scan3A_84 : i32 to index
        %swap3A_137 = arith.constant 48 : index
        %swap3A_138 = tpu.vector_load %arg21[%swap3A_136, %swap3A_137] {strides = array<i32>} : memref<32x128xf32, #tpu.memory_space<vmem>>, vector<16xf32>,
        tpu.vector_store %arg21[%swap3A_136, %swap3A_137], %add3A_135 {strides = array<i32>} : memref<32x128xf32, #tpu.memory_space<vmem>>, vector<16xf32>,
        %broadcast_in_dim3A_139 = arith.constant 130 : i32
        %broadcast_in_dim3A_140 = vector.broadcast %broadcast_in_dim3A_139 : i32 to vector<16xi32>
        %gather3A_141 = tpu.vector_load_idx %arg20[%broadcast_in_dim3A_86, %broadcast_in_dim3A_140] : memref<32x144xf32, #tpu.memory_space<vmem>>[vector<16xi32>, vector<16xi32>], vector<16xf32>,
        %add3A_142 = arith.constant 9.99999971E-10 : f32
        %add3A_143 = vector.broadcast %add3A_142 : f32 to vector<16xf32>
        %add3A_144 = arith.addf %gather3A_141, %add3A_143 : vector<16xf32>
        %get3A_145 = arith.index_cast %scan3A_84 : i32 to index
        %get3A_146 = arith.constant 64 : index
        %get3A_147 = tpu.vector_load %arg20[%get3A_145, %get3A_146] {strides = array<i32>} : memref<32x144xf32, #tpu.memory_space<vmem>>, vector<16xf32>,
        %div3A_148 = arith.divf %get3A_147, %add3A_144 : vector<16xf32>
        %get3A_149 = arith.index_cast %scan3A_84 : i32 to index
        %get3A_150 = arith.constant 64 : index
        %get3A_151 = tpu.vector_load %arg21[%get3A_149, %get3A_150] {strides = array<i32>} : memref<32x128xf32, #tpu.memory_space<vmem>>, vector<16xf32>,
        %add3A_152 = arith.addf %div3A_148, %get3A_151 : vector<16xf32>
        %swap3A_153 = arith.index_cast %scan3A_84 : i32 to index
        %swap3A_154 = arith.constant 64 : index
        %swap3A_155 = tpu.vector_load %arg21[%swap3A_153, %swap3A_154] {strides = array<i32>} : memref<32x128xf32, #tpu.memory_space<vmem>>, vector<16xf32>,
        tpu.vector_store %arg21[%swap3A_153, %swap3A_154], %add3A_152 {strides = array<i32>} : memref<32x128xf32, #tpu.memory_space<vmem>>, vector<16xf32>,
        %get3A_156 = arith.index_cast %scan3A_84 : i32 to index
        %get3A_157 = arith.constant 80 : index
        %get3A_158 = tpu.vector_load %arg20[%get3A_156, %get3A_157] {strides = array<i32>} : memref<32x144xf32, #tpu.memory_space<vmem>>, vector<16xf32>,
        %div3A_159 = arith.divf %get3A_158, %add3A_144 : vector<16xf32>
        %get3A_160 = arith.index_cast %scan3A_84 : i32 to index
        %get3A_161 = arith.constant 80 : index
        %get3A_162 = tpu.vector_load %arg21[%get3A_160, %get3A_161] {strides = array<i32>} : memref<32x128xf32, #tpu.memory_space<vmem>>, vector<16xf32>,
        %add3A_163 = arith.addf %div3A_159, %get3A_162 : vector<16xf32>
        %swap3A_164 = arith.index_cast %scan3A_84 : i32 to index
        %swap3A_165 = arith.constant 80 : index
        %swap3A_166 = tpu.vector_load %arg21[%swap3A_164, %swap3A_165] {strides = array<i32>} : memref<32x128xf32, #tpu.memory_space<vmem>>, vector<16xf32>,
        tpu.vector_store %arg21[%swap3A_164, %swap3A_165], %add3A_163 {strides = array<i32>} : memref<32x128xf32, #tpu.memory_space<vmem>>, vector<16xf32>,
        %broadcast_in_dim3A_167 = arith.constant 131 : i32
        %broadcast_in_dim3A_168 = vector.broadcast %broadcast_in_dim3A_167 : i32 to vector<16xi32>
        %gather3A_169 = tpu.vector_load_idx %arg20[%broadcast_in_dim3A_86, %broadcast_in_dim3A_168] : memref<32x144xf32, #tpu.memory_space<vmem>>[vector<16xi32>, vector<16xi32>], vector<16xf32>,
        %add3A_170 = arith.constant 9.99999971E-10 : f32
        %add3A_171 = vector.broadcast %add3A_170 : f32 to vector<16xf32>
        %add3A_172 = arith.addf %gather3A_169, %add3A_171 : vector<16xf32>
        %get3A_173 = arith.index_cast %scan3A_84 : i32 to index
        %get3A_174 = arith.constant 96 : index
        %get3A_175 = tpu.vector_load %arg20[%get3A_173, %get3A_174] {strides = array<i32>} : memref<32x144xf32, #tpu.memory_space<vmem>>, vector<16xf32>,
        %div3A_176 = arith.divf %get3A_175, %add3A_172 : vector<16xf32>
        %get3A_177 = arith.index_cast %scan3A_84 : i32 to index
        %get3A_178 = arith.constant 96 : index
        %get3A_179 = tpu.vector_load %arg21[%get3A_177, %get3A_178] {strides = array<i32>} : memref<32x128xf32, #tpu.memory_space<vmem>>, vector<16xf32>,
        %add3A_180 = arith.addf %div3A_176, %get3A_179 : vector<16xf32>
        %swap3A_181 = arith.index_cast %scan3A_84 : i32 to index
        %swap3A_182 = arith.constant 96 : index
        %swap3A_183 = tpu.vector_load %arg21[%swap3A_181, %swap3A_182] {strides = array<i32>} : memref<32x128xf32, #tpu.memory_space<vmem>>, vector<16xf32>,
        tpu.vector_store %arg21[%swap3A_181, %swap3A_182], %add3A_180 {strides = array<i32>} : memref<32x128xf32, #tpu.memory_space<vmem>>, vector<16xf32>,
        %get3A_184 = arith.index_cast %scan3A_84 : i32 to index
        %get3A_185 = arith.constant 112 : index
        %get3A_186 = tpu.vector_load %arg20[%get3A_184, %get3A_185] {strides = array<i32>} : memref<32x144xf32, #tpu.memory_space<vmem>>, vector<16xf32>,
        %div3A_187 = arith.divf %get3A_186, %add3A_172 : vector<16xf32>
        %get3A_188 = arith.index_cast %scan3A_84 : i32 to index
        %get3A_189 = arith.constant 112 : index
        %get3A_190 = tpu.vector_load %arg21[%get3A_188, %get3A_189] {strides = array<i32>} : memref<32x128xf32, #tpu.memory_space<vmem>>, vector<16xf32>,
        %add3A_191 = arith.addf %div3A_187, %get3A_190 : vector<16xf32>
        %swap3A_192 = arith.index_cast %scan3A_84 : i32 to index
        %swap3A_193 = arith.constant 112 : index
        %swap3A_194 = tpu.vector_load %arg21[%swap3A_192, %swap3A_193] {strides = array<i32>} : memref<32x128xf32, #tpu.memory_space<vmem>>, vector<16xf32>,
        tpu.vector_store %arg21[%swap3A_192, %swap3A_193], %add3A_191 {strides = array<i32>} : memref<32x128xf32, #tpu.memory_space<vmem>>, vector<16xf32>,
        %scan3A_195 = arith.constant 0 : i32
        scf.yield %scan3A_195 : i32
      }
      %scan3A_81 = arith.constant 32 : i32
      %add3A_82 = arith.addi %mul3A_59, %add3A_71 : i32
      "tpu.region"() ({
        %run_scoped3A = tpu.sem_alloc : memref<!tpu.dma_semaphore, #tpu.memory_space<semaphore_mem>>
        %dma_start3A_84 = arith.constant 0 : i32
        %dma_start3A_85 = tpu.memref_slice %arg7[%add3A_82, %dma_start3A_84] : memref<20480x128xf32, #tpu.memory_space<hbm>> -> memref<32x128xf32, #tpu.memory_space<hbm>>
        %dma_start3A_86 = arith.constant 0 : i32
        %dma_start3A_87 = tpu.memref_slice %arg7[%add3A_82, %dma_start3A_86] : memref<20480x128xf32, #tpu.memory_space<hbm>> -> memref<32x128xf32, #tpu.memory_space<hbm>>
        tpu.enqueue_dma source(%arg21 : memref<32x128xf32, #tpu.memory_space<vmem>>) target(%dma_start3A_87 : memref<32x128xf32, #tpu.memory_space<hbm>>) target_semaphore(%run_scoped3A : memref<!tpu.dma_semaphore, #tpu.memory_space<semaphore_mem>>)
        %dma_wait3A_88 = arith.constant 0 : i32
        %dma_wait3A_89 = tpu.memref_slice %arg7[%add3A_82, %dma_wait3A_88] : memref<20480x128xf32, #tpu.memory_space<hbm>> -> memref<32x128xf32, #tpu.memory_space<hbm>>
        %dma_wait3A_90 = arith.constant 0 : i32
        %dma_wait3A_91 = tpu.memref_slice %arg7[%add3A_82, %dma_wait3A_90] : memref<20480x128xf32, #tpu.memory_space<hbm>> -> memref<32x128xf32, #tpu.memory_space<hbm>>
        tpu.wait_dma2 semaphore(%run_scoped3A : memref<!tpu.dma_semaphore, #tpu.memory_space<semaphore_mem>>) src(%arg21 : memref<32x128xf32, #tpu.memory_space<vmem>>) dst(%dma_wait3A_91 : memref<32x128xf32, #tpu.memory_space<hbm>>)
        tpu.yield
      }) : () -> ()
      %scan3A_83 = arith.constant 0 : i32
      scf.yield %scan3A_83 : i32
    }
    %scan3A_66 = arith.constant 20 : i32
    return
  }
}

module attributes {stable_mosaic.version = 14 : i64} {
  func.func @_prep_body(%arg0: i32, %arg1: i32, %arg2: memref<2000x128xf32, #tpu.memory_space<vmem>>, %arg3: memref<2000x128xf32, #tpu.memory_space<vmem>>, %arg4: memref<1x128x128xf32, #tpu.memory_space<vmem>>, %arg5: memref<1x128x16xf32, #tpu.memory_space<vmem>>, %arg6: memref<1x128x16xf32, #tpu.memory_space<vmem>>, %arg7: memref<1x1x128xf32, #tpu.memory_space<vmem>>, %arg8: memref<128x128xf32, #tpu.memory_space<vmem>>, %arg9: memref<1x128xf32, #tpu.memory_space<vmem>>, %arg10: memref<2000x144xf32, #tpu.memory_space<vmem>>, %arg11: memref<2000x16xf32, #tpu.memory_space<vmem>>, %arg12: memref<2000x128xf32, #tpu.memory_space<vmem>>) attributes {dimension_semantics = [#tpu.dimension_semantics<arbitrary>, #tpu.dimension_semantics<arbitrary>], iteration_bounds = array<i64: 2, 5>, scalar_prefetch = 0 : i64, scratch_operands = 0 : i64, tpu.core_type = #tpu.core_type<tc>, window_params = [{transform_indices = @transform_0, window_bounds = array<i64: 2000, 128>}, {transform_indices = @transform_1, window_bounds = array<i64: 2000, 128>}, {transform_indices = @transform_2, window_bounds = array<i64: 1, 128, 128>}, {transform_indices = @transform_3, window_bounds = array<i64: 1, 128, 16>}, {transform_indices = @transform_4, window_bounds = array<i64: 1, 128, 16>}, {transform_indices = @transform_5, window_bounds = array<i64: 1, 1, 128>}, {pipeline_mode = #tpu.pipeline_mode<synchronous>, transform_indices = @transform_6, window_bounds = array<i64: 128, 128>}, {pipeline_mode = #tpu.pipeline_mode<synchronous>, transform_indices = @transform_7, window_bounds = array<i64: 1, 128>}, {transform_indices = @transform_8, window_bounds = array<i64: 2000, 144>}, {transform_indices = @transform_9, window_bounds = array<i64: 2000, 16>}, {transform_indices = @transform_10, window_bounds = array<i64: 2000, 128>}]} {
    %get3A = arith.constant 0 : index
    %get3A_0 = arith.constant 0 : index
    %get3A_1 = vector.load %arg2[%get3A, %get3A_0] : memref<2000x128xf32, #tpu.memory_space<vmem>>, vector<2000x128xf32>
    %get3A_2 = arith.constant 0 : index
    %get3A_3 = arith.constant 0 : index
    %get3A_4 = vector.load %arg3[%get3A_2, %get3A_3] : memref<2000x128xf32, #tpu.memory_space<vmem>>, vector<2000x128xf32>
    %get3A_5 = arith.constant 0 : index
    %get3A_6 = arith.constant 0 : index
    %get3A_7 = arith.constant 0 : index
    %get3A_8 = vector.load %arg4[%get3A_5, %get3A_6, %get3A_7] : memref<1x128x128xf32, #tpu.memory_space<vmem>>, vector<1x128x128xf32>
    %get3A_9 = vector.shape_cast %get3A_8 : vector<1x128x128xf32> to vector<128x128xf32>
    %get3A_10 = arith.constant 0 : index
    %get3A_11 = arith.constant 0 : index
    %get3A_12 = arith.constant 0 : index
    %get3A_13 = vector.load %arg5[%get3A_10, %get3A_11, %get3A_12] : memref<1x128x16xf32, #tpu.memory_space<vmem>>, vector<1x128x16xf32>
    %get3A_14 = vector.shape_cast %get3A_13 : vector<1x128x16xf32> to vector<128x16xf32>
    %dot_general3A = arith.constant dense<0.000000e+00> : vector<128x16xf32>
    %dot_general3A_15 = tpu.matmul %get3A_9, %get3A_14, %dot_general3A {dimension_numbers = #tpu.dot_dimension_numbers<[1], [0], [0], [1], [0, 0, 1, 1], [], []>, transpose_lhs_hint = false} : vector<128x128xf32>, vector<128x16xf32>, vector<128x16xf32> -> vector<128x16xf32>
    %concatenate3A = tpu.concatenate %get3A_9, %dot_general3A_15 in 1 : vector<128x128xf32>, vector<128x16xf32> -> vector<128x144xf32>
    %dot_general3A_16 = arith.constant dense<0.000000e+00> : vector<2000x144xf32>
    %dot_general3A_17 = tpu.matmul %get3A_1, %concatenate3A, %dot_general3A_16 {dimension_numbers = #tpu.dot_dimension_numbers<[1], [0], [0], [1], [0, 0, 1, 1], [], []>, transpose_lhs_hint = false} : vector<2000x128xf32>, vector<128x144xf32>, vector<2000x144xf32> -> vector<2000x144xf32>
    %swap3A = arith.constant 0 : index
    %swap3A_18 = arith.constant 0 : index
    %swap3A_19 = vector.load %arg10[%swap3A, %swap3A_18] : memref<2000x144xf32, #tpu.memory_space<vmem>>, vector<2000x144xf32>
    tpu.vector_store %arg10[%swap3A, %swap3A_18], %dot_general3A_17 {strides = array<i32>} : memref<2000x144xf32, #tpu.memory_space<vmem>>, vector<2000x144xf32>,
    %get3A_20 = arith.constant 0 : index
    %get3A_21 = arith.constant 0 : index
    %get3A_22 = arith.constant 0 : index
    %get3A_23 = vector.load %arg6[%get3A_20, %get3A_21, %get3A_22] : memref<1x128x16xf32, #tpu.memory_space<vmem>>, vector<1x128x16xf32>
    %get3A_24 = vector.shape_cast %get3A_23 : vector<1x128x16xf32> to vector<128x16xf32>
    %dot_general3A_25 = arith.constant dense<0.000000e+00> : vector<128x16xf32>
    %dot_general3A_26 = tpu.matmul %get3A_9, %get3A_24, %dot_general3A_25 {dimension_numbers = #tpu.dot_dimension_numbers<[1], [0], [0], [1], [0, 0, 1, 1], [], []>, transpose_lhs_hint = false} : vector<128x128xf32>, vector<128x16xf32>, vector<128x16xf32> -> vector<128x16xf32>
    %dot_general3A_27 = arith.constant dense<0.000000e+00> : vector<2000x16xf32>
    %dot_general3A_28 = tpu.matmul %get3A_4, %dot_general3A_26, %dot_general3A_27 {dimension_numbers = #tpu.dot_dimension_numbers<[1], [0], [0], [1], [0, 0, 1, 1], [], []>, transpose_lhs_hint = false} : vector<2000x128xf32>, vector<128x16xf32>, vector<2000x16xf32> -> vector<2000x16xf32>
    %swap3A_29 = arith.constant 0 : index
    %swap3A_30 = arith.constant 0 : index
    %swap3A_31 = vector.load %arg11[%swap3A_29, %swap3A_30] : memref<2000x16xf32, #tpu.memory_space<vmem>>, vector<2000x16xf32>
    tpu.vector_store %arg11[%swap3A_29, %swap3A_30], %dot_general3A_28 {strides = array<i32>} : memref<2000x16xf32, #tpu.memory_space<vmem>>, vector<2000x16xf32>,
    %get3A_32 = arith.constant 0 : index
    %get3A_33 = arith.constant 0 : index
    %get3A_34 = vector.load %arg8[%get3A_32, %get3A_33] : memref<128x128xf32, #tpu.memory_space<vmem>>, vector<128x128xf32>
    %dot_general3A_35 = arith.constant dense<0.000000e+00> : vector<2000x128xf32>
    %dot_general3A_36 = tpu.matmul %get3A_4, %get3A_34, %dot_general3A_35 {dimension_numbers = #tpu.dot_dimension_numbers<[1], [0], [0], [1], [0, 0, 1, 1], [], []>, transpose_lhs_hint = false} : vector<2000x128xf32>, vector<128x128xf32>, vector<2000x128xf32> -> vector<2000x128xf32>
    %get3A_37 = arith.constant 0 : index
    %get3A_38 = arith.constant 0 : index
    %get3A_39 = vector.load %arg9[%get3A_37, %get3A_38] : memref<1x128xf32, #tpu.memory_space<vmem>>, vector<1x128xf32>
    %add3A = vector.broadcast %get3A_39 : vector<1x128xf32> to vector<2000x128xf32>
    %add3A_40 = arith.addf %dot_general3A_36, %add3A : vector<2000x128xf32>
    %get3A_41 = arith.constant 0 : index
    %get3A_42 = arith.constant 0 : index
    %get3A_43 = arith.constant 0 : index
    %get3A_44 = vector.load %arg7[%get3A_41, %get3A_42, %get3A_43] : memref<1x1x128xf32, #tpu.memory_space<vmem>>, vector<1x1x128xf32>
    %get3A_45 = vector.shape_cast %get3A_44 : vector<1x1x128xf32> to vector<1x128xf32>
    %add3A_46 = vector.broadcast %get3A_45 : vector<1x128xf32> to vector<2000x128xf32>
    %add3A_47 = arith.addf %add3A_40, %add3A_46 : vector<2000x128xf32>
    %swap3A_48 = arith.constant 0 : index
    %swap3A_49 = arith.constant 0 : index
    %swap3A_50 = vector.load %arg12[%swap3A_48, %swap3A_49] : memref<2000x128xf32, #tpu.memory_space<vmem>>, vector<2000x128xf32>
    tpu.vector_store %arg12[%swap3A_48, %swap3A_49], %add3A_47 {strides = array<i32>} : memref<2000x128xf32, #tpu.memory_space<vmem>>, vector<2000x128xf32>,
    return
  }
  func.func @transform_0(%arg0: i32, %arg1: i32) -> (i32, i32) {
    %mul3A = arith.constant 5 : i32
    %mul3A_0 = arith.muli %arg0, %mul3A : i32
    %add3A = arith.addi %mul3A_0, %arg1 : i32
    %c0_i32 = arith.constant 0 : i32
    %c0_i32_1 = arith.constant 0 : i32
    return %add3A, %c0_i32 : i32, i32
  }
  func.func @transform_1(%arg0: i32, %arg1: i32) -> (i32, i32) {
    %sub3A = arith.constant 1 : i32
    %sub3A_0 = arith.subi %sub3A, %arg0 : i32
    %mul3A = arith.constant 5 : i32
    %mul3A_1 = arith.muli %sub3A_0, %mul3A : i32
    %add3A = arith.addi %mul3A_1, %arg1 : i32
    %c0_i32 = arith.constant 0 : i32
    %c0_i32_2 = arith.constant 0 : i32
    return %add3A, %c0_i32 : i32, i32
  }
  func.func @transform_2(%arg0: i32, %arg1: i32) -> (i32, i32, i32) {
    %c0_i32 = arith.constant 0 : i32
    %c0_i32_0 = arith.constant 0 : i32
    %c0_i32_1 = arith.constant 0 : i32
    return %arg0, %c0_i32, %c0_i32_0 : i32, i32, i32
  }
  func.func @transform_3(%arg0: i32, %arg1: i32) -> (i32, i32, i32) {
    %c0_i32 = arith.constant 0 : i32
    %c0_i32_0 = arith.constant 0 : i32
    %c0_i32_1 = arith.constant 0 : i32
    return %arg0, %c0_i32, %c0_i32_0 : i32, i32, i32
  }
  func.func @transform_4(%arg0: i32, %arg1: i32) -> (i32, i32, i32) {
    %c0_i32 = arith.constant 0 : i32
    %c0_i32_0 = arith.constant 0 : i32
    %c0_i32_1 = arith.constant 0 : i32
    return %arg0, %c0_i32, %c0_i32_0 : i32, i32, i32
  }
  func.func @transform_5(%arg0: i32, %arg1: i32) -> (i32, i32, i32) {
    %c0_i32 = arith.constant 0 : i32
    %c0_i32_0 = arith.constant 0 : i32
    %c0_i32_1 = arith.constant 0 : i32
    return %arg0, %c0_i32, %c0_i32_0 : i32, i32, i32
  }
  func.func @transform_6(%arg0: i32, %arg1: i32) -> (i32, i32) {
    %c0_i32 = arith.constant 0 : i32
    %c0_i32_0 = arith.constant 0 : i32
    %c0_i32_1 = arith.constant 0 : i32
    return %c0_i32, %c0_i32_0 : i32, i32
  }
  func.func @transform_7(%arg0: i32, %arg1: i32) -> (i32, i32) {
    %c0_i32 = arith.constant 0 : i32
    %c0_i32_0 = arith.constant 0 : i32
    %c0_i32_1 = arith.constant 0 : i32
    return %c0_i32, %c0_i32_0 : i32, i32
  }
  func.func @transform_8(%arg0: i32, %arg1: i32) -> (i32, i32) {
    %mul3A = arith.constant 5 : i32
    %mul3A_0 = arith.muli %arg0, %mul3A : i32
    %add3A = arith.addi %mul3A_0, %arg1 : i32
    %c0_i32 = arith.constant 0 : i32
    %c0_i32_1 = arith.constant 0 : i32
    return %add3A, %c0_i32 : i32, i32
  }
  func.func @transform_9(%arg0: i32, %arg1: i32) -> (i32, i32) {
    %mul3A = arith.constant 5 : i32
    %mul3A_0 = arith.muli %arg0, %mul3A : i32
    %add3A = arith.addi %mul3A_0, %arg1 : i32
    %c0_i32 = arith.constant 0 : i32
    %c0_i32_1 = arith.constant 0 : i32
    return %add3A, %c0_i32 : i32, i32
  }
  func.func @transform_10(%arg0: i32, %arg1: i32) -> (i32, i32) {
    %mul3A = arith.constant 5 : i32
    %mul3A_0 = arith.muli %arg0, %mul3A : i32
    %add3A = arith.addi %mul3A_0, %arg1 : i32
    %c0_i32 = arith.constant 0 : i32
    %c0_i32_1 = arith.constant 0 : i32
    return %add3A, %c0_i32 : i32, i32
  }
}

</mosaic_0001>

<sc_bundles>
// kernel: kernel.4.cloned.1.call-start
scs
__scs_entry_jumppad:
0x0: {  	(pc) =	sbr.rel $0x88, $3  }
0x1: {  	(tag) =	ssettag $0x0;
	lr =	simm.s32 $0x1  }
0x2: {  	[smem:$0x3F93] =	sst lr;
	_ =	strace $0xD0000000  }
0x3: {  	_ = 	snop  }
0x4: {  	_ = 	snop  }
0x5: {  	_ = 	snop  }
0x6: {  	_ = 	snop  }
0x7: {  	_ = 	snop  }
__scs_overlays_trampoline_lowered:
0x8: {  	[smem:$0x3FA2] =	sst s0  }
0x9: {  	[smem:$0x3FA3] =	sst s1  }
0xa: {  	[smem:$0x3FA4] =	sst s2  }
0xb: {  	[smem:$0x3FA5] =	sst s3  }
0xc: {  	[smem:$0x3FA6] =	sst s4  }
0xd: {  	[smem:$0x3FA7] =	sst s5  }
0xe: {  	[smem:$0x3FA8] =	sst s6  }
0xf: {  	[smem:$0x3FA9] =	sst s7  }
0x10: {  	[smem:$0x3FAA] =	sst s8  }
0x11: {  	[smem:$0x3FAB] =	sst s9;
	s0 =	simm.s32 @!p0 $0x0  }
0x12: {  	s1 =	sld [smem:$0x3F91];
	s0 =	simm.s32 @p0 $0x1  }
0x13: {  	[smem:$0x3FAC] =	sst s0;
	s0 =	simm.s32 @!p1 $0x0  }
0x14: {  	s2 =	sld [smem:$0x3F90];
	s0 =	simm.s32 @p1 $0x1  }
0x15: {  	[smem:$0x3FAD] =	sst s0;
	s0 =	simm.s32 @!p2 $0x0  }
0x16: {  	s3 =	sld [smem:$0x3FDB];
	s0 =	simm.s32 @p2 $0x1  }
0x17: {  	s4 =	simm.s32 $0x1BF5;
	[smem:$0x3FAF] =	sst s0  }
0x18: {  	s0 =	sld [smem:$0x3F92];
	_ =	swait.ge [sflag:s4], $0x0  }
0x19: {  	s7 =	sld [smem:$0x3F93]  }
0x1a: {  	s8 =	sadd.s32 $0xFFFFE003, lr  }
0x1b: {  	s9 =	sadd.s32 $0xFFFFFEF7, lr;
	s5 =	simm.s32 $0xFFFFFFFF;
	p2 =	slt.u32 s8, $0xFFFFF086  }
0x1c: {  	p1 =	slt.u32 s9, $0xF7A;
	s5 =	simm.s32 @!p2 $0x0  }
0x1d: {  	s5 =	simm.s32 @p1 $0x1;
	p0 =	seq.s32 s7, s2  }
0x1e: {  	s7 =	smul.u32 @!p0 $0xF7A, s2;
	p2 =	seq.s32 @!p0 s5, $0x0  }
0x1f: {  	s9 =	smul.u32 $0xF7A, s1;
	s8 =	simm.s32 @!p0 $0x1BF5;
	p2 =	por !p2, p0  }
0x20: {  	[sflag:s8] =	ssyncset.s32 @!p0 $0xFFFFF086;
	s6 =	sadd.s32 @!p0 s3, s7;
	s7 =	simm.s32 @!p0 $0x108  }
0x21: {  	s3 =	sadd.s32 s3, s9;
	s6 =	sadd.s32 @!p0 $0x88, s6;
	s7 =	simm.s32 @p2 $0x1082  }
0x22: {  	[simem:s7], [sflag:s8] =	dma.local @!p0 [hbm:s6], $0xF7A  }
0x23: {  	s9 =	sor.u32 $0xD0000000, s2;
	s6 =	simm.s32 $0x108;
	_ =	swait.ge @!p0 [sflag:s8], $0x0  }
0x24: {  	s3 =	sadd.s32 $0x88, s3;
	s6 =	simm.s32 @!p1 $0x1082;
	[sflag:s4] =	ssyncset.s32 $0xFFFFF086  }
0x25: {  	[simem:s6], [sflag:s4] =	dma.local [hbm:s3], $0xF7A  }
0x26: {  	[smem:$0x3F93] =	sst s1;
	(tag) =	ssettag s2;
	_ =	strace s9  }
0x27: {  	s1 =	sld [smem:$0x3FA3]  }
0x28: {  	s2 =	sld [smem:$0x3FA4]  }
0x29: {  	s4 =	sld [smem:$0x3FA6]  }
0x2a: {  	p0 =	seq.s32 s5, $0x0;
	s5 =	sld [smem:$0x3FA7]  }
0x2b: {  	s6 =	sld [smem:$0x3FA8]  }
0x2c: {  	s7 =	sld [smem:$0x3FA9]  }
0x2d: {  	s3 =	simm.s32 $0x108;
	s8 =	sld [smem:$0x3FAA]  }
0x2e: {  	s3 =	simm.s32 @!p0 $0x1082;
	s9 =	sld [smem:$0x3FAB]  }
0x2f: {  	lr =	sadd.s32 s0, s3;
	s0 =	sld [smem:$0x3FA2]  }
0x30: {  	s3 =	sld [smem:$0x3FA5]  }
0x31: {  	[smem:$0x3FAE] =	sst s10  }
0x32: {  	s10 =	sld [smem:$0x3FAC];
	_ =	sdelay $0x3  }
0x33: {  	p0 =	seq.s32 s10, $0x1;
	s10 =	sld [smem:$0x3FAE];
	_ =	sdelay $0x3  }
0x34: {  	[smem:$0x3FAE] =	sst s10  }
0x35: {  	s10 =	sld [smem:$0x3FAD];
	_ =	sdelay $0x3  }
0x36: {  	p1 =	seq.s32 s10, $0x1;
	s10 =	sld [smem:$0x3FAE];
	_ =	sdelay $0x3  }
0x37: {  	[smem:$0x3FAE] =	sst s10  }
0x38: {  	s10 =	sld [smem:$0x3FAF]  }
0x39: {  	_ = 	snop;
	(pc) =	sbr.ind lr, $3  }
0x3a: {  	_ = 	snop  }
0x3b: {  	_ = 	snop  }
0x3c: {  	p2 =	seq.s32 s10, $0x1;
	s10 =	sld [smem:$0x3FAE]  }
0x3d: {  	_ =	shalt  }
0x3e: {  	_ =	shalt  }
0x3f: {  	_ =	shalt  }
0x40: {  	_ =	shalt  }
0x41: {  	_ =	shalt  }
0x42: {  	_ =	shalt  }
0x43: {  	_ =	shalt  }
0x44: {  	_ =	shalt  }
0x45: {  	_ =	shalt  }
0x46: {  	_ =	shalt  }
0x47: {  	_ =	shalt  }
0x48: {  	_ =	shalt  }
0x49: {  	_ =	shalt  }
0x4a: {  	_ =	shalt  }
0x4b: {  	_ =	shalt  }
0x4c: {  	_ =	shalt  }
0x4d: {  	_ =	shalt  }
0x4e: {  	_ =	shalt  }
0x4f: {  	_ =	shalt  }
0x50: {  	_ =	shalt  }
0x51: {  	_ =	shalt  }
0x52: {  	_ =	shalt  }
0x53: {  	_ =	shalt  }
0x54: {  	_ =	shalt  }
0x55: {  	_ =	shalt  }
0x56: {  	_ =	shalt  }
0x57: {  	_ =	shalt  }
0x58: {  	_ =	shalt  }
0x59: {  	_ =	shalt  }
0x5a: {  	_ =	shalt  }
0x5b: {  	_ =	shalt  }
0x5c: {  	_ =	shalt  }
0x5d: {  	_ =	shalt  }
0x5e: {  	_ =	shalt  }
0x5f: {  	_ =	shalt  }
0x60: {  	_ =	shalt  }
0x61: {  	_ =	shalt  }
0x62: {  	_ =	shalt  }
0x63: {  	_ =	shalt  }
0x64: {  	_ =	shalt  }
0x65: {  	_ =	shalt  }
0x66: {  	_ =	shalt  }
0x67: {  	_ =	shalt  }
0x68: {  	_ =	shalt  }
0x69: {  	_ =	shalt  }
0x6a: {  	_ =	shalt  }
0x6b: {  	_ =	shalt  }
0x6c: {  	_ =	shalt  }
0x6d: {  	_ =	shalt  }
0x6e: {  	_ =	shalt  }
0x6f: {  	_ =	shalt  }
0x70: {  	_ =	shalt  }
0x71: {  	_ =	shalt  }
0x72: {  	_ =	shalt  }
0x73: {  	_ =	shalt  }
0x74: {  	_ =	shalt  }
0x75: {  	_ =	shalt  }
0x76: {  	_ =	shalt  }
0x77: {  	_ =	shalt  }
0x78: {  	_ =	shalt  }
0x79: {  	_ =	shalt  }
0x7a: {  	_ =	shalt  }
0x7b: {  	_ =	shalt  }
0x7c: {  	_ =	shalt  }
0x7d: {  	_ =	shalt  }
0x7e: {  	_ =	shalt  }
0x7f: {  	_ =	shalt  }
0x80: {  	_ =	shalt  }
0x81: {  	_ =	shalt  }
0x82: {  	_ =	shalt  }
0x83: {  	_ =	shalt  }
0x84: {  	_ =	shalt  }
0x85: {  	_ =	shalt  }
0x86: {  	_ =	shalt  }
0x87: {  	_ =	shalt  }
.Lfunc_end0:
.L_simem_size_0:
called_computation_lowered:
.L_overlay_start_0:
0x88: {  	s2 =	sld [smem:$0x3FD9]  }
0x89: {  	s3 =	sld [smem:$0x3FFE];
	_ =	sdelay $0x1  }
0x8a: {  	s1 =	srdreg.scid  }
0x8b: {  	s0 =	sand.u32 $0x1, s1  }
0x8c: {  	s17 =	sshll.u32 s0, $0xA;
	s2 =	sadd.s32 s3, s2  }
0x8d: {  	s2 =	sadd.s32 s2, s17  }
0x8e: {  	[smem:$0x3FBA] =	sst s2  }
0x8f: {  	_ = 	snop  }
0x90: {  	s2 =	sld [smem:$0x3FD0];
	(tm) =	ssettm $0x1  }
0x91: {  	s18 =	sld [smem:$0x3FFB];
	_ =	sdelay $0x3  }
0x92: {  	_ =	strace s18  }
0x93: {  	s3 =	sld [smem:$0x3FFC];
	_ =	sdelay $0x3  }
0x94: {  	_ =	strace s3  }
0x95: {  	s3 =	sld [smem:$0x3FFD];
	_ =	sdelay $0x3  }
0x96: {  	_ =	strace s3  }
0x97: {  	_ =	strace $0x8FFFFFFF  }
0x98: {  	s19 =	sld [smem:$0x3FDB];
	_ =	sdelay $0x1  }
0x99: {  	s4 =	simm.s32 $_scs_section_size  }
0x9a: {  	s5 =	simm.s32 $_size__tile_overlayer_lowered;
	s6 =	simm.s32 $_tile_overlayer_lowered  }
0x9b: {  	s22 =	simm.s32 $0x1BFF;
	s21 =	sshll.u32 s6, $0x1;
	s3 =	sadd.s32 s4, s19  }
0x9c: {  	s7 =	simm.s32 $0x0;
	s20 =	sshll.u32 s5, $0x1;
	s5 =	sadd.s32 s21, s3  }
0x9d: {  	[timem:s7], [sflag:s22] =	dma.local [hbm:s5], s20  }
0x9e: {  	_ =	swait.ge [sflag:s22], s20  }
0x9f: {  	s4 =	ssub.s32 $0x0, s20;
	[sflag:s22] =	ssyncset.done $0x0  }
0xa0: {  	[sflag:s22] =	ssyncadd.s32 s4;
	_ =	sdelay $0x1  }
0xa1: {  	s23 =	simm.s32 $0x1B8B  }
0xa2: {  	_ =	swait.ge [sflag:s23], $0x1  }
0xa3: {  	[sflag:s23] =	ssyncset.done $0x0  }
0xa4: {  	s25 =	simm.s32 $0x1B8E;
	s24 =	sld [smem:$0x3FFE];
	[sflag:s23] =	ssyncadd.s32 $0xFFFFFFFF  }
0xa5: {  	s26 =	simm.s32 $execute0_lowered;
	[smem:$0x3FD2] =	sst s25  }
0xa6: {  	s5 =	sshll.u32 s26, $0x1;
	_ =	strace $0x80000046;
	[dreg:$0x1] =	wrdreg $0xFFFFFFFF  }
0xa7: {  	s28 =	simm.s32 $_size_execute0_lowered;
	s3 =	sadd.s32 s3, s5;
	[dreg:$0x0] =	wrdreg $0x0  }
0xa8: {  	s5 =	sshll.u32 s28, $0x1;
	[dreg:$0x2] =	wrdreg s3  }
0xa9: {  	[dreg:$0x3] =	wrdreg s5  }
0xaa: {  	[dreg:$0x4] =	wrdreg $0xC0  }
0xab: {  	_ =	task [dreg:s7], $0x5FFFF  }
0xac: {  	[dreg:$0x1] =	wrdreg $0xFFFFFFFF  }
0xad: {  	[dreg:$0x0] =	wrdreg $0x60  }
0xae: {  	[dreg:$0x2] =	wrdreg s24  }
0xaf: {  	[dreg:$0x3] =	wrdreg s2  }
0xb0: {  	[dreg:$0x4] =	wrdreg $0x0  }
0xb1: {  	[dreg:$0x5] =	wrdreg $0x9  }
0xb2: {  	_ =	task.clear_ibuf [dreg:s7], $0x6FFFF;
	_ =	strace $0x90000046  }
0xb3: {  	s29 =	simm.s32 $0x9;
	_ =	strace $0x80000048  }
0xb4: {  	_ =	swait.ge [sflag:s29], $0x1  }
0xb5: {  	[sflag:s29] =	ssyncadd.s32 $0xFFFFFFFF  }
0xb6: {  	_ =	strace $0x90000048  }
0xb7: {  	_ =	sfence  }
0xb8: {  	s30 =	sld [smem:$0x0];
	_ =	sdelay $0x2  }
0xb9: {  	s31 =	sshll.u32 s1, $0xD;
	s1 =	sshrl.u32 s1, $0x2  }
0xba: {  	s3 =	sand.u32 $0x4000, s31;
	s1 =	sadd.s32 s1, s30  }
0xbb: {  	s0 =	sor.u32 s3, s0;
	s1 =	sshll.u32 s1, $0x11  }
0xbc: {  	s0 =	sor.u32 s1, s0  }
0xbd: {  	s0 =	sadd.s32 $0x8F2B, s0  }
0xbe: {  	[sflag:s0] =	ssyncadd.remote.s32 $0x1  }
0xbf: {  	_ =	sfence.sel $0xFFFF  }
0xc0: {  	[dreg:$0x0] =	wrdreg $0xFFFFFFFF;
	(pc) =	sbr.abs _section_cstart, $3  }
0xc1: {  	[dreg:$0x1] =	wrdreg $0xFFFFFFFF  }
0xc2: {  	_ =	task.clear_ibuf [dreg:s7], $0x2FFFF;
	_ =	strace $0x9FFFFFFF  }
0xc3: {  	(tm) =	ssettm $0x7FFFFFFF  }
tec
execute0_lowered:
.L_overlay_start_1:
0x0: {  	(tag) =	ssettag $0x1  }
0x1: {  	s2 =	rddreg [dreg:$0x0]  }
0x2: {  	s8 =	rddreg [dreg:$0x1]  }
0x3: {  	s3 =	rddreg [dreg:$0x2];
	s0 =	simm.s32 $0x0;
	s23 =	srdreg.scid  }
0x4: {  	s5 =	stileid.u32;
	s28 =	simm.s32 $0x3;
	s29 =	simm.s32 $0x1D100  }
0x5: {  	s30 =	simm.s32 $0x1D1A0;
	s31 =	simm.s32 $0x50;
	[smem:$0x7FF] =	sst s0  }
0x6: {  	s6 =	sadd.s32 $0x9C400, s2;
	s7 =	sadd.s32 $0x59E00, s2;
	s1 =	smul.u32 $0x5A000, s5  }
0x7: {  	s0 =	sand.u32 $0x1, s23;
	s10 =	sadd.s32 $0x9E00, s2;
	s9 =	smul.u32 $0x280, s5  }
0x8: {  	s19 =	smov.u32 s2;
	s2 =	sadd.s32 $0xF4400, s2;
	s13 =	smul.u32 $0x4E20, s5  }
0x9: {  	s22 =	smov.u32 s8;
	s5 =	simm.s32 $0x1C200;
	_ =	strace $0x80000047  }
0xa: {  	[dreg:$0x5] =	wrdreg s2;
	s24 =	ssub.s32 $0x2, s0;
	s26 =	smul.u32 $0x4E200, s0  }
0xb: {  	s21 =	smul.u32 $0x2710, s0;
	[dreg:$0x4] =	wrdreg s10;
	s4 =	sshrl.u32 s24, $0x1  }
0xc: {  	[dreg:$0x6] =	wrdreg s9;
	s1 =	sshrl.u32 s1, $0x2;
	s2 =	ssub.s32 s24, s4  }
0xd: {  	s25 =	sadd.s32 s1, s3;
	s20 =	sadd.s32 s13, s26;
	s24 =	sxor.u32 $0x1, s0  }
0xe: {  	s0 =	smul.u32 $0x2800, s0;
	s11 =	sadd.s32 $0x2D00, s25;
	[dreg:$0x7] =	wrdreg s25  }
0xf: {  	s13 =	simm.s32 $0x1D1F0;
	s12 =	sadd.s32 $0x5A00, s25;
	[dreg:$0x8] =	wrdreg s11  }
0x10: {  	v0 =	vmov s21;
	s21 =	simm.s32 $0x1D2E0;
	s14 =	sadd.s32 $0x8700, s25;
	[dreg:$0x9] =	wrdreg s12  }
0x11: {  	s1 =	simm.s32 $0x0;
	s15 =	sadd.s32 $0xB400, s25;
	[dreg:$0xa] =	wrdreg s14  }
0x12: {  	s16 =	sadd.s32 $0xE100, s25;
	s17 =	sadd.s32 $0x10E00, s25;
	[dreg:$0xb] =	wrdreg s15  }
0x13: {  	s18 =	sadd.s32 $0x13B00, s25;
	s4 =	sshrl.u32 s20, $0x3;
	[dreg:$0xc] =	wrdreg s16  }
0x14: {  	s25 =	smul.u32 $0x2800, s24;
	s26 =	smax.u32 s2, $0x1;
	[dreg:$0xd] =	wrdreg s17  }
0x15: {  	s23 =	smov.u32 s20;
	s24 =	simm.s32 $0x1E4E0;
	[dreg:$0xe] =	wrdreg s18  }
0x16: {  	s8 =	sadd.s32 s8, s4;
	s4 =	sadd.s32 s7, s4;
	[dreg:$0x12] =	wrdreg s0  }
0x17: {  	[dreg:$0x13] =	wrdreg s26;
	s26 =	simm.s32 $0x16800;
	s12 =	simm.s32 $0x1D150  }
0x18: {  	s14 =	simm.s32 $0x19500;
	s16 =	simm.s32 $0x1C700;
	[dreg:$0xf] =	wrdreg s8  }
0x19: {  	s17 =	simm.s32 $0x1;
	s18 =	simm.s32 $0x1CC00;
	[dreg:$0x10] =	wrdreg s4  }
0x1a: {  	v1 =	vimm.f32 $0.0e+00;
	v2 =	vlaneseq.u32;
	[dreg:$0x11] =	wrdreg s25;
	s25 =	sadd.s32 $0x50, s20;
	s20 =	simm.s32 $0x2  }
.LBB2_1:
0x1b: {  	s0 =	simm.s32 $0x16840  }
0x1c: {  	[tilespmem:s0+$0xFFFFFFD0] =	vst v1  }
0x1d: {  	[tilespmem:s0+$0xFFFFFFE0] =	vst v1  }
0x1e: {  	[tilespmem:s0+$0xFFFFFFF0] =	vst v1  }
0x1f: {  	[tilespmem:s0+$0x0] =	vst v1  }
0x20: {  	[tilespmem:s0+$0x10] =	vst v1  }
0x21: {  	[tilespmem:s0+$0x20] =	vst v1  }
0x22: {  	[tilespmem:s0+$0x30] =	vst v1  }
0x23: {  	[tilespmem:s0+$0x40] =	vst v1  }
0x24: {  	[dreg:$0x14] =	wrdreg s1;
	s1 =	simm.s32 $0x0;
	s2 =	simm.s32 $0x40;
	[tilespmem:s0+$0xFFFFFFC0] =	vst v1  }
.LBB2_2:
0x25: {  	p0 =	sne.s32 s2, $0x13C0;
	[tilespmem:s1+$0x1CC00] =	vst v1;
	s0 =	sadd.s32 $0x90, s0  }
0x26: {  	[tilespmem:s0+$0xFFFFFFD0] =	vst v1  }
0x27: {  	[tilespmem:s0+$0xFFFFFFE0] =	vst v1  }
0x28: {  	[tilespmem:s0+$0xFFFFFFF0] =	vst v1  }
0x29: {  	[tilespmem:s0+$0x0] =	vst v1  }
.Ltmp0:
0x2a: {  	[tilespmem:s0+$0x10] =	vst v1;
	(pc) =	sbr.rel @p0 .LBB2_2-.Ltmp0, $4  }
0x2b: {  	[tilespmem:s0+$0x20] =	vst v1  }
0x2c: {  	[tilespmem:s0+$0x30] =	vst v1  }
0x2d: {  	[tilespmem:s0+$0x40] =	vst v1  }
0x2e: {  	s1 =	sshra.s32 s2, $0x2;
	s2 =	sadd.s32 $0x40, s2;
	[tilespmem:s0+$0xFFFFFFC0] =	vst v1  }
0x2f: {  	[tilespmem:s1+$0x1CC00] =	vst v1;
	s0 =	rddreg [dreg:$0x7]  }
0x30: {  	[spmem:s0] =	stream.linear.scatter [tilespmem:s26], [sflag:$0x3], $0x2D00, $0x38;
	[tilespmem:$0x1F4E0] =	vst v63  }
0x31: {  	_ =	swait.ge [sflag:s28], $0x2D00  }
0x32: {  	[sflag:s28] =	ssyncset.done $0x0  }
0x33: {  	s10 =	rddreg [dreg:$0x8];
	[sflag:s28] =	ssyncadd.s32 $0xFFFFD300  }
0x34: {  	[spmem:s10] =	stream.linear.scatter [tilespmem:s26], [sflag:$0x3], $0x2D00, $0x38;
	[tilespmem:$0x1F4E0] =	vst v63  }
0x35: {  	_ =	swait.ge [sflag:s28], $0x2D00  }
0x36: {  	[sflag:s28] =	ssyncset.done $0x0  }
0x37: {  	s11 =	rddreg [dreg:$0x9];
	[sflag:s28] =	ssyncadd.s32 $0xFFFFD300  }
0x38: {  	[spmem:s11] =	stream.linear.scatter [tilespmem:s26], [sflag:$0x3], $0x2D00, $0x38;
	[tilespmem:$0x1F4E0] =	vst v63  }
0x39: {  	_ =	swait.ge [sflag:s28], $0x2D00  }
0x3a: {  	[sflag:s28] =	ssyncset.done $0x0  }
0x3b: {  	s15 =	rddreg [dreg:$0xa];
	[sflag:s28] =	ssyncadd.s32 $0xFFFFD300  }
0x3c: {  	[spmem:s15] =	stream.linear.scatter [tilespmem:s26], [sflag:$0x3], $0x2D00, $0x38;
	[tilespmem:$0x1F4E0] =	vst v63  }
0x3d: {  	_ =	swait.ge [sflag:s28], $0x2D00  }
0x3e: {  	[sflag:s28] =	ssyncset.done $0x0  }
0x3f: {  	s1 =	rddreg [dreg:$0xb];
	[sflag:s28] =	ssyncadd.s32 $0xFFFFD300  }
0x40: {  	[spmem:s1] =	stream.linear.scatter [tilespmem:s26], [sflag:$0x3], $0x2D00, $0x38;
	[tilespmem:$0x1F4E0] =	vst v63  }
0x41: {  	_ =	swait.ge [sflag:s28], $0x2D00  }
0x42: {  	[sflag:s28] =	ssyncset.done $0x0  }
0x43: {  	s2 =	rddreg [dreg:$0xc];
	[sflag:s28] =	ssyncadd.s32 $0xFFFFD300  }
0x44: {  	[spmem:s2] =	stream.linear.scatter [tilespmem:s26], [sflag:$0x3], $0x2D00, $0x38;
	[tilespmem:$0x1F4E0] =	vst v63  }
0x45: {  	_ =	swait.ge [sflag:s28], $0x2D00  }
0x46: {  	[sflag:s28] =	ssyncset.done $0x0  }
0x47: {  	s4 =	rddreg [dreg:$0xd];
	[sflag:s28] =	ssyncadd.s32 $0xFFFFD300  }
0x48: {  	[spmem:s4] =	stream.linear.scatter [tilespmem:s26], [sflag:$0x3], $0x2D00, $0x38;
	[tilespmem:$0x1F4E0] =	vst v63  }
0x49: {  	_ =	swait.ge [sflag:s28], $0x2D00  }
0x4a: {  	[sflag:s28] =	ssyncset.done $0x0  }
0x4b: {  	s8 =	rddreg [dreg:$0xe];
	[sflag:s28] =	ssyncadd.s32 $0xFFFFD300  }
0x4c: {  	[spmem:s8] =	stream.linear.scatter [tilespmem:s26], [sflag:$0x3], $0x2D00, $0x38;
	[tilespmem:$0x1F4E0] =	vst v63  }
0x4d: {  	_ =	swait.ge [sflag:s28], $0x2D00  }
0x4e: {  	[sflag:s28] =	ssyncset.done $0x0  }
0x4f: {  	[sflag:s28] =	ssyncadd.s32 $0xFFFFD300  }
0x50: {  	[bflag:$0x0] =	sbarrier.arrive $0xFFFF  }
0x51: {  	s11 =	simm.s32 $0x0;
	s9 =	rddreg [dreg:$0xf]  }
0x52: {  	[tilespmem:s29], [sflag:$0x3] =	stream.linear.gather [hbm4b:s9+s11], $0x50, $0x38;
	[tilespmem:$0x1F4E0] =	vst v63  }
0x53: {  	_ =	swait.ge [sflag:s28], $0x50  }
0x54: {  	[sflag:s28] =	ssyncset.done $0x0  }
0x55: {  	s10 =	rddreg [dreg:$0x10];
	[sflag:s28] =	ssyncadd.s32 $0xFFFFFFB0  }
0x56: {  	[tilespmem:s30], [sflag:$0x3] =	stream.linear.gather [hbm4b:s10+s11], $0x50, $0x38;
	[tilespmem:$0x1F4E0] =	vst v63  }
0x57: {  	_ =	swait.ge [sflag:s28], $0x50  }
0x58: {  	[sflag:s28] =	ssyncset.done $0x0  }
0x59: {  	[sflag:s28] =	ssyncadd.s32 $0xFFFFFFB0  }
0x5a: {  	v3 =	vld [tilespmem:$0x1D100]  }
0x5b: {  	v4 =	vld [tilespmem:$0x1D1A0]  }
0x5c: {  	v5 =	vld [tilespmem:$0x1D110]  }
0x5d: {  	v6 =	vld [tilespmem:$0x1D1B0]  }
0x5e: {  	v7 =	vld [tilespmem:$0x1D120]  }
0x5f: {  	v8 =	vld [tilespmem:$0x1D1C0];
	v3 =	vadd.s32 v0, v3  }
0x60: {  	v60 =	vld [tilespmem:$0x1D130];
	[tilespmem:$0x1D100] =	vst v3;
	v3 =	vadd.s32 v0, v4  }
0x61: {  	v61 =	vld [tilespmem:$0x1D1D0];
	[tilespmem:$0x1D240] =	vst v3;
	v3 =	vadd.s32 v0, v5  }
0x62: {  	v62 =	vld [tilespmem:$0x1D140];
	[tilespmem:$0x1D110] =	vst v3;
	v3 =	vadd.s32 v0, v6  }
0x63: {  	v63 =	vld [tilespmem:$0x1D1E0];
	[tilespmem:$0x1D250] =	vst v3;
	v3 =	vadd.s32 v0, v7  }
0x64: {  	[tilespmem:$0x1D120] =	vst v3;
	v3 =	vadd.s32 v0, v8  }
0x65: {  	[tilespmem:$0x1D260] =	vst v3;
	v3 =	vadd.s32 v0, v60  }
0x66: {  	[tilespmem:$0x1D130] =	vst v3;
	v3 =	vadd.s32 v0, v61  }
0x67: {  	[tilespmem:$0x1D270] =	vst v3;
	v3 =	vadd.s32 v0, v62  }
0x68: {  	[tilespmem:$0x1D140] =	vst v3;
	v3 =	vadd.s32 v0, v63  }
0x69: {  	[tilespmem:$0x1D280] =	vst v3  }
0x6a: {  	[tilespmem:s26], [sflag:$0x1] =	stream.indirect.gather [hbm4b:s6+s31], $0x90, s29, s31, $0xb8;
	[tilespmem:$0x1F4E0] =	vst v63  }
0x6b: {  	s15 =	simm.s32 $0x1D240;
	s4 =	simm.s32 $0x0  }
0x6c: {  	[tilespmem:s5], [sflag:$0x1] =	stream.indirect.gather [hbm4b:s19+s31], $0x10, s15, s31, $0xb8;
	[tilespmem:$0x1F4E0] =	vst v63  }
.LBB2_4:
0x6d: {  	s15 =	smul.u32 $0xA0, s4;
	_ =	sdelay $0x1  }
0x6e: {  	s0 =	sadd.s32 s15, s25  }
0x6f: {  	s0 =	sshrl.u32 s0, $0x3  }
0x70: {  	s1 =	sadd.s32 s22, s0  }
0x71: {  	[tilespmem:s12], [sflag:$0x3] =	stream.linear.gather [hbm4b:s1+s11], $0x50, $0x38;
	[tilespmem:$0x1F4E0] =	vst v63  }
0x72: {  	_ =	swait.ge [sflag:s28], $0x50  }
0x73: {  	[sflag:s28] =	ssyncset.done $0x0  }
0x74: {  	s0 =	sadd.s32 s7, s0;
	[sflag:s28] =	ssyncadd.s32 $0xFFFFFFB0  }
0x75: {  	[tilespmem:s13], [sflag:$0x3] =	stream.linear.gather [hbm4b:s0+s11], $0x50, $0x38;
	[tilespmem:$0x1F4E0] =	vst v63  }
0x76: {  	_ =	swait.ge [sflag:s28], $0x50  }
0x77: {  	[sflag:s28] =	ssyncset.done $0x0  }
0x78: {  	[sflag:s28] =	ssyncadd.s32 $0xFFFFFFB0  }
0x79: {  	v3 =	vld [tilespmem:$0x1D150]  }
0x7a: {  	v4 =	vld [tilespmem:$0x1D1F0]  }
0x7b: {  	v5 =	vld [tilespmem:$0x1D160]  }
0x7c: {  	v6 =	vld [tilespmem:$0x1D200]  }
0x7d: {  	v7 =	vld [tilespmem:$0x1D170]  }
0x7e: {  	v8 =	vld [tilespmem:$0x1D210];
	v3 =	vadd.s32 v0, v3  }
0x7f: {  	[tilespmem:$0x1D150] =	vst v3;
	v3 =	vadd.s32 v0, v4;
	v4 =	vld [tilespmem:$0x1D180]  }
0x80: {  	[tilespmem:$0x1D290] =	vst v3;
	v3 =	vadd.s32 v0, v5;
	v5 =	vld [tilespmem:$0x1D220]  }
0x81: {  	[tilespmem:$0x1D160] =	vst v3;
	v3 =	vadd.s32 v0, v6;
	v6 =	vld [tilespmem:$0x1D190]  }
0x82: {  	[tilespmem:$0x1D2A0] =	vst v3;
	v3 =	vadd.s32 v0, v7;
	v7 =	vld [tilespmem:$0x1D230]  }
0x83: {  	[tilespmem:$0x1D170] =	vst v3;
	v3 =	vadd.s32 v0, v8  }
0x84: {  	[tilespmem:$0x1D2B0] =	vst v3;
	v3 =	vadd.s32 v0, v4  }
0x85: {  	[tilespmem:$0x1D180] =	vst v3;
	v3 =	vadd.s32 v0, v5  }
0x86: {  	[tilespmem:$0x1D2C0] =	vst v3;
	v3 =	vadd.s32 v0, v6  }
0x87: {  	[tilespmem:$0x1D190] =	vst v3;
	v3 =	vadd.s32 v0, v7  }
0x88: {  	[tilespmem:$0x1D2D0] =	vst v3  }
0x89: {  	[tilespmem:s14], [sflag:$0x2] =	stream.indirect.gather [hbm4b:s6+s31], $0x90, s12, s31, $0xb8;
	[tilespmem:$0x1F4E0] =	vst v63  }
0x8a: {  	s9 =	simm.s32 $0x1D290  }
0x8b: {  	v3 =	vor.u32 s11, v2;
	[tilespmem:s16], [sflag:$0x2] =	stream.indirect.gather [hbm4b:s19+s31], $0x10, s9, s31, $0xb8;
	[tilespmem:$0x1F4E0] =	vst v63  }
0x8c: {  	v4 =	vmul.u32 $0x90, v3;
	_ =	swait.ge [sflag:s17], $0x2D00  }
0x8d: {  	v3 =	vshll.u32 v3, $0x4;
	[sflag:s17] =	ssyncset.done $0x0  }
0x8e: {  	v5 =	vadd.s32 $0x80, v4;
	[sflag:s17] =	ssyncadd.s32 $0xFFFFD300  }
0x8f: {  	_ =	swait.ge [sflag:s17], $0x500  }
0x90: {  	[sflag:s17] =	ssyncset.done $0x0  }
0x91: {  	[sflag:s17] =	ssyncadd.s32 $0xFFFFFB00  }
0x92: {  	v6 =	vld.idx.msk [tilespmem:v3+s5+$0x0], $0xffff  }
0x93: {  	v5 =	vld.idx.msk [tilespmem:v5+s26+$0x0], $0xffff;
	_ =	sdelay $0x4  }
0x94: {  	v5 =	vadd.f32 v6, v5;
	_ =	sdelay $0x1  }
0x95: {  	v6 =	vmul.f32 $2.000000030e-01, v5  }
0x96: {  	vm0 =	vgt.f32 v5, $0.0e+00  }
0x97: {  	v5 =	vsel vm0, v5, v6  }
0x98: {  	v5 =	vmul.f32 $1.442695020e+00, v5;
	_ =	sdelay $0x1  }
0x99: {  	(erf) = vpow2.f32 v5;
	_ =	sdelay $0x5  }
0x9a: {  	v5 =	vadd.s32 $0x81, v4  }
0x9b: {  	v6 =	vor.u32 $0x1, v3;
	_ =	sdelay $0x1  }
0x9c: {  	s0 =	simm.s32 $0x1CC00;
	v7 =	vpop (erf)  }
0x9d: {  	[tilespmem:v3+s0+$0x0] =	vst.idx.msk $0xffff, v7  }
0x9e: {  	v5 =	vld.idx.msk [tilespmem:v5+s26+$0x0], $0xffff  }
0x9f: {  	v7 =	vld.idx.msk [tilespmem:v6+s5+$0x0], $0xffff;
	_ =	sdelay $0x4  }
0xa0: {  	v5 =	vadd.f32 v7, v5;
	_ =	sdelay $0x1  }
0xa1: {  	v7 =	vmul.f32 $2.000000030e-01, v5  }
0xa2: {  	vm13 =	vgt.f32 v5, $0.0e+00  }
0xa3: {  	v5 =	vsel vm13, v5, v7  }
0xa4: {  	v5 =	vmul.f32 $1.442695020e+00, v5;
	_ =	sdelay $0x1  }
0xa5: {  	(erf) = vpow2.f32 v5;
	_ =	sdelay $0x5  }
0xa6: {  	v5 =	vadd.s32 $0x82, v4  }
0xa7: {  	v7 =	vor.u32 $0x2, v3;
	_ =	sdelay $0x1  }
0xa8: {  	v63 =	vpop (erf)  }
0xa9: {  	[tilespmem:v6+s0+$0x0] =	vst.idx.msk $0xffff, v63  }
0xaa: {  	v5 =	vld.idx.msk [tilespmem:v5+s26+$0x0], $0xffff  }
0xab: {  	v6 =	vld.idx.msk [tilespmem:v7+s5+$0x0], $0xffff;
	_ =	sdelay $0x4  }
0xac: {  	v5 =	vadd.f32 v6, v5;
	_ =	sdelay $0x1  }
0xad: {  	v6 =	vmul.f32 $2.000000030e-01, v5  }
0xae: {  	vm14 =	vgt.f32 v5, $0.0e+00  }
0xaf: {  	v5 =	vsel vm14, v5, v6  }
0xb0: {  	v5 =	vmul.f32 $1.442695020e+00, v5;
	_ =	sdelay $0x1  }
0xb1: {  	(erf) = vpow2.f32 v5;
	_ =	sdelay $0x5  }
0xb2: {  	v4 =	vadd.s32 $0x83, v4  }
0xb3: {  	v5 =	vor.u32 $0x3, v3;
	_ =	sdelay $0x1  }
0xb4: {  	v3 =	vpop (erf)  }
0xb5: {  	[tilespmem:v7+s0+$0x0] =	vst.idx.msk $0xffff, v3  }
0xb6: {  	v3 =	vld.idx.msk [tilespmem:v4+s26+$0x0], $0xffff  }
0xb7: {  	v4 =	vld.idx.msk [tilespmem:v5+s5+$0x0], $0xffff;
	_ =	sdelay $0x4  }
0xb8: {  	v3 =	vadd.f32 v4, v3;
	_ =	sdelay $0x1  }
0xb9: {  	v4 =	vmul.f32 $2.000000030e-01, v3  }
0xba: {  	vm15 =	vgt.f32 v3, $0.0e+00  }
0xbb: {  	v3 =	vsel vm15, v3, v4  }
0xbc: {  	v3 =	vmul.f32 $1.442695020e+00, v3;
	_ =	sdelay $0x1  }
0xbd: {  	(erf) = vpow2.f32 v3;
	_ =	sdelay $0x2  }
0xbe: {  	s10 =	simm.s32 $0x10  }
0xbf: {  	v4 =	vor.u32 s10, v2  }
0xc0: {  	v3 =	vmul.u32 $0x90, v4  }
0xc1: {  	s2 =	simm.s32 $0x20;
	v4 =	vshll.u32 v4, $0x4  }
.LBB2_5:
0xc2: {  	p0 =	sne.s32 s2, $0x40;
	v6 =	vadd.s32 $0x80, v3;
	s8 =	smov.u32 s2;
	s2 =	sadd.s32 $0x10, s2  }
0xc3: {  	_ = 	snop  }
0xc4: {  	v7 =	vpop (erf)  }
0xc5: {  	[tilespmem:v5+s0+$0x0] =	vst.idx.msk $0xffff, v7  }
0xc6: {  	v5 =	vld.idx.msk [tilespmem:v4+s5+$0x0], $0xffff  }
0xc7: {  	v6 =	vld.idx.msk [tilespmem:v6+s26+$0x0], $0xffff;
	_ =	sdelay $0x5  }
0xc8: {  	v5 =	vadd.f32 v5, v6;
	_ =	sdelay $0x1  }
0xc9: {  	v6 =	vmul.f32 $2.000000030e-01, v5  }
0xca: {  	vm0 =	vgt.f32 v5, $0.0e+00  }
0xcb: {  	v5 =	vsel vm0, v5, v6  }
0xcc: {  	v5 =	vmul.f32 $1.442695020e+00, v5;
	_ =	sdelay $0x1  }
0xcd: {  	(erf) = vpow2.f32 v5;
	_ =	sdelay $0x5  }
0xce: {  	v6 =	vor.u32 $0x1, v4;
	v5 =	vadd.s32 $0x81, v3;
	_ =	sdelay $0x2  }
0xcf: {  	v7 =	vpop (erf)  }
0xd0: {  	[tilespmem:v4+s0+$0x0] =	vst.idx.msk $0xffff, v7  }
0xd1: {  	v5 =	vld.idx.msk [tilespmem:v5+s26+$0x0], $0xffff  }
0xd2: {  	v7 =	vld.idx.msk [tilespmem:v6+s5+$0x0], $0xffff;
	_ =	sdelay $0x5  }
0xd3: {  	v5 =	vadd.f32 v7, v5;
	_ =	sdelay $0x1  }
0xd4: {  	vm0 =	vgt.f32 v5, $0.0e+00;
	v7 =	vmul.f32 $2.000000030e-01, v5;
	_ =	sdelay $0x1  }
0xd5: {  	v5 =	vsel vm0, v5, v7  }
0xd6: {  	v5 =	vmul.f32 $1.442695020e+00, v5;
	_ =	sdelay $0x1  }
0xd7: {  	(erf) = vpow2.f32 v5;
	_ =	sdelay $0x5  }
0xd8: {  	v7 =	vor.u32 $0x2, v4;
	v5 =	vadd.s32 $0x82, v3;
	_ =	sdelay $0x2  }
0xd9: {  	v8 =	vpop (erf)  }
0xda: {  	[tilespmem:v6+s0+$0x0] =	vst.idx.msk $0xffff, v8  }
0xdb: {  	v5 =	vld.idx.msk [tilespmem:v5+s26+$0x0], $0xffff  }
0xdc: {  	v6 =	vld.idx.msk [tilespmem:v7+s5+$0x0], $0xffff;
	_ =	sdelay $0x5  }
0xdd: {  	v5 =	vadd.f32 v6, v5;
	_ =	sdelay $0x1  }
0xde: {  	vm0 =	vgt.f32 v5, $0.0e+00;
	v6 =	vmul.f32 $2.000000030e-01, v5;
	_ =	sdelay $0x1  }
0xdf: {  	v5 =	vsel vm0, v5, v6  }
0xe0: {  	v5 =	vmul.f32 $1.442695020e+00, v5;
	_ =	sdelay $0x1  }
0xe1: {  	(erf) = vpow2.f32 v5;
	_ =	sdelay $0x5  }
0xe2: {  	v3 =	vadd.s32 $0x83, v3;
	v5 =	vor.u32 $0x3, v4;
	_ =	sdelay $0x2  }
0xe3: {  	v4 =	vpop (erf)  }
0xe4: {  	[tilespmem:v7+s0+$0x0] =	vst.idx.msk $0xffff, v4  }
0xe5: {  	v3 =	vld.idx.msk [tilespmem:v3+s26+$0x0], $0xffff  }
0xe6: {  	v4 =	vld.idx.msk [tilespmem:v5+s5+$0x0], $0xffff;
	_ =	sdelay $0x5  }
0xe7: {  	v3 =	vadd.f32 v4, v3;
	_ =	sdelay $0x1  }
0xe8: {  	vm0 =	vgt.f32 v3, $0.0e+00;
	v4 =	vmul.f32 $2.000000030e-01, v3;
	_ =	sdelay $0x1  }
0xe9: {  	v3 =	vsel vm0, v3, v4  }
0xea: {  	v3 =	vmul.f32 $1.442695020e+00, v3;
	_ =	sdelay $0x1  }
0xeb: {  	(erf) = vpow2.f32 v3;
	_ =	sdelay $0x1  }
.Ltmp1:
0xec: {  	(pc) =	sbr.rel @p0 .LBB2_5-.Ltmp1, $4  }
0xed: {  	_ = 	snop  }
0xee: {  	v4 =	vor.u32 s8, v2  }
0xef: {  	v3 =	vmul.u32 $0x90, v4  }
0xf0: {  	v4 =	vshll.u32 v4, $0x4  }
0xf1: {  	_ = 	snop  }
0xf2: {  	v6 =	vadd.s32 $0x80, v3;
	_ =	sdelay $0x1  }
0xf3: {  	v7 =	vpop (erf)  }
0xf4: {  	[tilespmem:v5+s0+$0x0] =	vst.idx.msk $0xffff, v7  }
0xf5: {  	v5 =	vld.idx.msk [tilespmem:v4+s5+$0x0], $0xffff  }
0xf6: {  	v6 =	vld.idx.msk [tilespmem:v6+s26+$0x0], $0xffff;
	_ =	sdelay $0x4  }
0xf7: {  	v5 =	vadd.f32 v5, v6;
	_ =	sdelay $0x1  }
0xf8: {  	v6 =	vmul.f32 $2.000000030e-01, v5  }
0xf9: {  	vm0 =	vgt.f32 v5, $0.0e+00  }
0xfa: {  	v5 =	vsel vm0, v5, v6  }
0xfb: {  	v5 =	vmul.f32 $1.442695020e+00, v5;
	_ =	sdelay $0x1  }
0xfc: {  	(erf) = vpow2.f32 v5;
	_ =	sdelay $0x5  }
0xfd: {  	v5 =	vadd.s32 $0x81, v3  }
0xfe: {  	v56 =	vor.u32 $0x1, v4;
	_ =	sdelay $0x1  }
0xff: {  	s0 =	simm.s32 $0x1CC00;
	v57 =	vpop (erf)  }
0x100: {  	[tilespmem:v4+s0+$0x0] =	vst.idx.msk $0xffff, v57  }
0x101: {  	v5 =	vld.idx.msk [tilespmem:v5+s26+$0x0], $0xffff  }
0x102: {  	v7 =	vld.idx.msk [tilespmem:v56+s5+$0x0], $0xffff;
	_ =	sdelay $0x4  }
0x103: {  	v5 =	vadd.f32 v7, v5;
	_ =	sdelay $0x1  }
0x104: {  	v7 =	vmul.f32 $2.000000030e-01, v5  }
0x105: {  	vm13 =	vgt.f32 v5, $0.0e+00  }
0x106: {  	v5 =	vsel vm13, v5, v7  }
0x107: {  	v5 =	vmul.f32 $1.442695020e+00, v5;
	_ =	sdelay $0x1  }
0x108: {  	(erf) = vpow2.f32 v5;
	_ =	sdelay $0x5  }
0x109: {  	v5 =	vadd.s32 $0x82, v3  }
0x10a: {  	v58 =	vor.u32 $0x2, v4;
	_ =	sdelay $0x1  }
0x10b: {  	v8 =	vpop (erf)  }
0x10c: {  	[tilespmem:v56+s0+$0x0] =	vst.idx.msk $0xffff, v8  }
0x10d: {  	v5 =	vld.idx.msk [tilespmem:v5+s26+$0x0], $0xffff  }
0x10e: {  	v6 =	vld.idx.msk [tilespmem:v58+s5+$0x0], $0xffff;
	_ =	sdelay $0x4  }
0x10f: {  	v5 =	vadd.f32 v6, v5;
	_ =	sdelay $0x1  }
0x110: {  	v6 =	vmul.f32 $2.000000030e-01, v5  }
0x111: {  	vm14 =	vgt.f32 v5, $0.0e+00  }
0x112: {  	v5 =	vsel vm14, v5, v6  }
0x113: {  	v5 =	vmul.f32 $1.442695020e+00, v5;
	_ =	sdelay $0x1  }
0x114: {  	(erf) = vpow2.f32 v5;
	_ =	sdelay $0x5  }
0x115: {  	v3 =	vadd.s32 $0x83, v3  }
0x116: {  	v4 =	vor.u32 $0x3, v4;
	_ =	sdelay $0x1  }
0x117: {  	v5 =	vpop (erf)  }
0x118: {  	[tilespmem:v58+s0+$0x0] =	vst.idx.msk $0xffff, v5  }
0x119: {  	v3 =	vld.idx.msk [tilespmem:v3+s26+$0x0], $0xffff  }
0x11a: {  	v5 =	vld.idx.msk [tilespmem:v4+s5+$0x0], $0xffff;
	_ =	sdelay $0x4  }
0x11b: {  	v3 =	vadd.f32 v5, v3;
	_ =	sdelay $0x1  }
0x11c: {  	v5 =	vmul.f32 $2.000000030e-01, v3  }
0x11d: {  	vm15 =	vgt.f32 v3, $0.0e+00  }
0x11e: {  	v3 =	vsel vm15, v3, v5  }
0x11f: {  	v3 =	vmul.f32 $1.442695020e+00, v3;
	_ =	sdelay $0x1  }
0x120: {  	(erf) = vpow2.f32 v3;
	_ =	sdelay $0x5  }
0x121: {  	s1 =	simm.s32 $0x0  }
0x122: {  	v3 =	vmov s1;
	_ =	sdelay $0x1  }
0x123: {  	v5 =	vpop (erf)  }
0x124: {  	s2 =	simm.s32 $0x16840;
	[tilespmem:v4+s0+$0x0] =	vst.idx.msk $0xffff, v5  }
0x125: {  	v4 =	vld [tilespmem:s2+$0xFFFFFFC0]  }
0x126: {  	v5 =	vld.idx.msk [tilespmem:v3+s18+$0x0], $0xffff  }
0x127: {  	v59 =	vld [tilespmem:s2+$0xFFFFFFD0];
	_ =	sdelay $0x2  }
0x128: {  	v60 =	vor.u32 $0x1, v3  }
0x129: {  	v4 =	vmul.f32 v4, v5  }
0x12a: {  	v5 =	vmul.f32 v59, v5  }
0x12b: {  	[tilespmem:s2+$0xFFFFFFC0] =	vst v4  }
0x12c: {  	[tilespmem:s2+$0xFFFFFFD0] =	vst v5;
	v5 =	vld [tilespmem:s2+$0xFFFFFFE0]  }
0x12d: {  	v4 =	vld.idx.msk [tilespmem:v60+s18+$0x0], $0xffff  }
0x12e: {  	v61 =	vld [tilespmem:s2+$0xFFFFFFF0];
	_ =	sdelay $0x2  }
0x12f: {  	v62 =	vor.u32 $0x2, v3  }
0x130: {  	v5 =	vmul.f32 v5, v4  }
0x131: {  	v4 =	vmul.f32 v61, v4  }
0x132: {  	[tilespmem:s2+$0xFFFFFFE0] =	vst v5  }
0x133: {  	[tilespmem:s2+$0xFFFFFFF0] =	vst v4;
	v4 =	vld [tilespmem:s2+$0x0]  }
0x134: {  	v5 =	vld.idx.msk [tilespmem:v62+s18+$0x0], $0xffff  }
0x135: {  	v63 =	vld [tilespmem:s2+$0x10];
	_ =	sdelay $0x2  }
0x136: {  	v3 =	vor.u32 $0x3, v3  }
0x137: {  	v4 =	vmul.f32 v4, v5  }
0x138: {  	v5 =	vmul.f32 v63, v5  }
0x139: {  	[tilespmem:s2+$0x0] =	vst v4  }
0x13a: {  	[tilespmem:s2+$0x10] =	vst v5;
	v4 =	vld [tilespmem:s2+$0x20]  }
0x13b: {  	v3 =	vld.idx.msk [tilespmem:v3+s18+$0x0], $0xffff  }
0x13c: {  	v5 =	vld [tilespmem:s2+$0x30];
	_ =	sdelay $0x3  }
0x13d: {  	v4 =	vmul.f32 v4, v3  }
0x13e: {  	v3 =	vmul.f32 v5, v3  }
0x13f: {  	[tilespmem:s2+$0x20] =	vst v4  }
0x140: {  	[tilespmem:s2+$0x30] =	vst v3  }
0x141: {  	s9 =	simm.s32 $0x2;
	s10 =	simm.s32 $0x10;
	s8 =	simm.s32 $0x16840;
	v3 =	vld [tilespmem:s0+$0x0]  }
.LBB2_7:
0x142: {  	s0 =	sadd.s32 $0x10, s0  }
0x143: {  	v4 =	vmov s10;
	s2 =	sadd.s32 $0x90, s2;
	s10 =	smov.u32 s9;
	s1 =	sadd.s32 $0x1, s9  }
0x144: {  	p0 =	sne.s32 s9, $0x4F;
	_ =	sdelay $0x2  }
0x145: {  	v5 =	vld [tilespmem:s2+$0xFFFFFFC0];
	[tilespmem:s8+$0x40] =	vst v3;
	s8 =	smov.u32 s2  }
0x146: {  	v3 =	vld.idx.msk [tilespmem:v4+s18+$0x0], $0xffff  }
0x147: {  	v6 =	vld [tilespmem:s2+$0xFFFFFFD0];
	_ =	sdelay $0x2  }
0x148: {  	v7 =	vor.u32 $0x1, v4;
	_ =	sdelay $0x1  }
0x149: {  	v5 =	vmul.f32 v5, v3;
	v3 =	vmul.f32 v6, v3;
	_ =	sdelay $0x1  }
0x14a: {  	[tilespmem:s2+$0xFFFFFFC0] =	vst v5  }
0x14b: {  	[tilespmem:s2+$0xFFFFFFD0] =	vst v3;
	v3 =	vld [tilespmem:s2+$0xFFFFFFF0]  }
0x14c: {  	v5 =	vld.idx.msk [tilespmem:v7+s18+$0x0], $0xffff  }
0x14d: {  	v6 =	vld [tilespmem:s2+$0xFFFFFFE0];
	_ =	sdelay $0x1  }
0x14e: {  	v7 =	vor.u32 $0x2, v4;
	_ =	sdelay $0x2  }
0x14f: {  	v3 =	vmul.f32 v3, v5;
	v6 =	vmul.f32 v6, v5;
	_ =	sdelay $0x1  }
0x150: {  	[tilespmem:s2+$0xFFFFFFE0] =	vst v6  }
0x151: {  	[tilespmem:s2+$0xFFFFFFF0] =	vst v3;
	v3 =	vld [tilespmem:s2+$0x0]  }
0x152: {  	v5 =	vld.idx.msk [tilespmem:v7+s18+$0x0], $0xffff  }
0x153: {  	v6 =	vld [tilespmem:s2+$0x10]  }
0x154: {  	v4 =	vor.u32 $0x3, v4;
	_ =	sdelay $0x3  }
0x155: {  	v3 =	vmul.f32 v3, v5;
	v5 =	vmul.f32 v6, v5;
	_ =	sdelay $0x1  }
0x156: {  	[tilespmem:s2+$0x0] =	vst v3  }
0x157: {  	[tilespmem:s2+$0x10] =	vst v5;
	v3 =	vld [tilespmem:s2+$0x20]  }
0x158: {  	v4 =	vld.idx.msk [tilespmem:v4+s18+$0x0], $0xffff  }
0x159: {  	v5 =	vld [tilespmem:s2+$0x30];
	_ =	sdelay $0x4  }
.Ltmp2:
0x15a: {  	v3 =	vmul.f32 v3, v4;
	v4 =	vmul.f32 v5, v4;
	(pc) =	sbr.rel @p0 .LBB2_7-.Ltmp2, $4  }
0x15b: {  	_ = 	snop  }
0x15c: {  	[tilespmem:s2+$0x20] =	vst v3  }
0x15d: {  	[tilespmem:s2+$0x30] =	vst v4  }
0x15e: {  	s10 =	sshll.u32 s10, $0x4;
	s9 =	smov.u32 s1;
	v3 =	vld [tilespmem:s0+$0x0]  }
0x15f: {  	v4 =	vmov s10;
	_ =	sdelay $0x2  }
0x160: {  	s1 =	sadd.s32 $0x90, s2  }
0x161: {  	v5 =	vld [tilespmem:s1+$0xFFFFFFC0];
	[tilespmem:s8+$0x40] =	vst v3  }
0x162: {  	v3 =	vld.idx.msk [tilespmem:v4+s18+$0x0], $0xffff  }
0x163: {  	v6 =	vld [tilespmem:s1+$0xFFFFFFD0];
	_ =	sdelay $0x2  }
0x164: {  	v7 =	vor.u32 $0x1, v4  }
0x165: {  	v5 =	vmul.f32 v5, v3  }
0x166: {  	v3 =	vmul.f32 v6, v3  }
0x167: {  	[tilespmem:s1+$0xFFFFFFC0] =	vst v5  }
0x168: {  	[tilespmem:s1+$0xFFFFFFD0] =	vst v3;
	v5 =	vld [tilespmem:s1+$0xFFFFFFE0]  }
0x169: {  	v3 =	vld.idx.msk [tilespmem:v7+s18+$0x0], $0xffff  }
0x16a: {  	v6 =	vld [tilespmem:s1+$0xFFFFFFF0];
	_ =	sdelay $0x2  }
0x16b: {  	v7 =	vor.u32 $0x2, v4  }
0x16c: {  	v5 =	vmul.f32 v5, v3  }
0x16d: {  	v3 =	vmul.f32 v6, v3  }
0x16e: {  	[tilespmem:s1+$0xFFFFFFE0] =	vst v5  }
0x16f: {  	[tilespmem:s1+$0xFFFFFFF0] =	vst v3;
	v3 =	vld [tilespmem:s1+$0x0]  }
0x170: {  	v5 =	vld.idx.msk [tilespmem:v7+s18+$0x0], $0xffff  }
0x171: {  	v6 =	vld [tilespmem:s1+$0x10];
	_ =	sdelay $0x2  }
0x172: {  	v4 =	vor.u32 $0x3, v4  }
0x173: {  	v3 =	vmul.f32 v3, v5  }
0x174: {  	v5 =	vmul.f32 v6, v5  }
0x175: {  	[tilespmem:s1+$0x0] =	vst v3  }
0x176: {  	[tilespmem:s1+$0x10] =	vst v5;
	v3 =	vld [tilespmem:s1+$0x20]  }
0x177: {  	v4 =	vld.idx.msk [tilespmem:v4+s18+$0x0], $0xffff  }
0x178: {  	v5 =	vld [tilespmem:s1+$0x30];
	_ =	sdelay $0x3  }
0x179: {  	v3 =	vmul.f32 v3, v4  }
0x17a: {  	v4 =	vmul.f32 v5, v4  }
0x17b: {  	[tilespmem:s1+$0x20] =	vst v3  }
0x17c: {  	s0 =	sadd.s32 $0x10, s0;
	[tilespmem:s1+$0x30] =	vst v4  }
0x17d: {  	v3 =	vld [tilespmem:s0+$0x0];
	_ =	sdelay $0x3  }
0x17e: {  	p0 =	seq.s32 s4, $0x7C;
	s0 =	sadd.s32 $0xA0, s15  }
0x17f: {  	s0 =	simm.s32 @p0 $0x0;
	[tilespmem:s1+$0x40] =	vst v3  }
0x180: {  	[spmem:s3] =	stream.indirect.scatter.add.f32 [tilespmem:s26], [sflag:$0x3], $0x90, s30, s31, $0xb8;
	[tilespmem:$0x1F4E0] =	vst v63  }
0x181: {  	s0 =	sadd.s32 s23, s0;
	_ =	swait.ge [sflag:s28], $0x2D00  }
0x182: {  	s0 =	sshrl.u32 s0, $0x3;
	[sflag:s28] =	ssyncset.done $0x0  }
0x183: {  	s9 =	simm.s32 $0x0;
	s8 =	sadd.s32 s22, s0;
	[sflag:s28] =	ssyncadd.s32 $0xFFFFD300  }
0x184: {  	[tilespmem:s29], [sflag:$0x3] =	stream.linear.gather [hbm4b:s8+s9], $0x50, $0x38;
	[tilespmem:$0x1F4E0] =	vst v63  }
0x185: {  	_ =	swait.ge [sflag:s28], $0x50  }
0x186: {  	[sflag:s28] =	ssyncset.done $0x0  }
0x187: {  	s0 =	sadd.s32 s7, s0;
	[sflag:s28] =	ssyncadd.s32 $0xFFFFFFB0  }
0x188: {  	[tilespmem:s30], [sflag:$0x3] =	stream.linear.gather [hbm4b:s0+s9], $0x50, $0x38;
	[tilespmem:$0x1F4E0] =	vst v63  }
0x189: {  	_ =	swait.ge [sflag:s28], $0x50  }
0x18a: {  	[sflag:s28] =	ssyncset.done $0x0  }
0x18b: {  	[sflag:s28] =	ssyncadd.s32 $0xFFFFFFB0  }
0x18c: {  	v3 =	vld [tilespmem:$0x1D100]  }
0x18d: {  	v4 =	vld [tilespmem:$0x1D1A0]  }
0x18e: {  	v5 =	vld [tilespmem:$0x1D110]  }
0x18f: {  	v6 =	vld [tilespmem:$0x1D1B0]  }
0x190: {  	v7 =	vld [tilespmem:$0x1D120]  }
0x191: {  	v8 =	vld [tilespmem:$0x1D1C0];
	v3 =	vadd.s32 v0, v3  }
0x192: {  	[tilespmem:$0x1D100] =	vst v3;
	v3 =	vadd.s32 v0, v4;
	v4 =	vld [tilespmem:$0x1D130]  }
0x193: {  	[tilespmem:$0x1D240] =	vst v3;
	v3 =	vadd.s32 v0, v5;
	v5 =	vld [tilespmem:$0x1D1D0]  }
0x194: {  	[tilespmem:$0x1D110] =	vst v3;
	v3 =	vadd.s32 v0, v6;
	v6 =	vld [tilespmem:$0x1D140]  }
0x195: {  	[tilespmem:$0x1D250] =	vst v3;
	v3 =	vadd.s32 v0, v7;
	v7 =	vld [tilespmem:$0x1D1E0]  }
0x196: {  	[tilespmem:$0x1D120] =	vst v3;
	v3 =	vadd.s32 v0, v8  }
0x197: {  	[tilespmem:$0x1D260] =	vst v3;
	v3 =	vadd.s32 v0, v4  }
0x198: {  	[tilespmem:$0x1D130] =	vst v3;
	v3 =	vadd.s32 v0, v5  }
0x199: {  	[tilespmem:$0x1D270] =	vst v3;
	v3 =	vadd.s32 v0, v6  }
0x19a: {  	[tilespmem:$0x1D140] =	vst v3;
	v3 =	vadd.s32 v0, v7  }
0x19b: {  	[tilespmem:$0x1D280] =	vst v3  }
0x19c: {  	[tilespmem:s26], [sflag:$0x1] =	stream.indirect.gather [hbm4b:s6+s31], $0x90, s29, s31, $0xb8;
	[tilespmem:$0x1F4E0] =	vst v63  }
0x19d: {  	s10 =	simm.s32 $0x1D240  }
0x19e: {  	v3 =	vor.u32 s9, v2;
	[tilespmem:s5], [sflag:$0x1] =	stream.indirect.gather [hbm4b:s19+s31], $0x10, s10, s31, $0xb8;
	[tilespmem:$0x1F4E0] =	vst v63  }
0x19f: {  	v4 =	vmul.u32 $0x90, v3;
	_ =	swait.ge [sflag:s20], $0x2D00  }
0x1a0: {  	v3 =	vshll.u32 v3, $0x4;
	[sflag:s20] =	ssyncset.done $0x0  }
0x1a1: {  	v5 =	vadd.s32 $0x80, v4;
	[sflag:s20] =	ssyncadd.s32 $0xFFFFD300  }
0x1a2: {  	_ =	swait.ge [sflag:s20], $0x500  }
0x1a3: {  	[sflag:s20] =	ssyncset.done $0x0  }
0x1a4: {  	[sflag:s20] =	ssyncadd.s32 $0xFFFFFB00  }
0x1a5: {  	v6 =	vld.idx.msk [tilespmem:v3+s16+$0x0], $0xffff  }
0x1a6: {  	v5 =	vld.idx.msk [tilespmem:v5+s14+$0x0], $0xffff;
	_ =	sdelay $0x4  }
0x1a7: {  	v5 =	vadd.f32 v6, v5;
	_ =	sdelay $0x1  }
0x1a8: {  	v6 =	vmul.f32 $2.000000030e-01, v5  }
0x1a9: {  	vm0 =	vgt.f32 v5, $0.0e+00  }
0x1aa: {  	v5 =	vsel vm0, v5, v6  }
0x1ab: {  	v5 =	vmul.f32 $1.442695020e+00, v5;
	_ =	sdelay $0x1  }
0x1ac: {  	(erf) = vpow2.f32 v5;
	_ =	sdelay $0x5  }
0x1ad: {  	v5 =	vadd.s32 $0x81, v4  }
0x1ae: {  	v6 =	vor.u32 $0x1, v3;
	_ =	sdelay $0x1  }
0x1af: {  	s0 =	simm.s32 $0x1CC00;
	v7 =	vpop (erf)  }
0x1b0: {  	[tilespmem:v3+s0+$0x0] =	vst.idx.msk $0xffff, v7  }
0x1b1: {  	v5 =	vld.idx.msk [tilespmem:v5+s14+$0x0], $0xffff  }
0x1b2: {  	v7 =	vld.idx.msk [tilespmem:v6+s16+$0x0], $0xffff;
	_ =	sdelay $0x4  }
0x1b3: {  	v5 =	vadd.f32 v7, v5;
	_ =	sdelay $0x1  }
0x1b4: {  	v7 =	vmul.f32 $2.000000030e-01, v5  }
0x1b5: {  	vm13 =	vgt.f32 v5, $0.0e+00  }
0x1b6: {  	v5 =	vsel vm13, v5, v7  }
0x1b7: {  	v5 =	vmul.f32 $1.442695020e+00, v5;
	_ =	sdelay $0x1  }
0x1b8: {  	(erf) = vpow2.f32 v5;
	_ =	sdelay $0x5  }
0x1b9: {  	v5 =	vadd.s32 $0x82, v4  }
0x1ba: {  	v7 =	vor.u32 $0x2, v3;
	_ =	sdelay $0x1  }
0x1bb: {  	v63 =	vpop (erf)  }
0x1bc: {  	[tilespmem:v6+s0+$0x0] =	vst.idx.msk $0xffff, v63  }
0x1bd: {  	v5 =	vld.idx.msk [tilespmem:v5+s14+$0x0], $0xffff  }
0x1be: {  	v6 =	vld.idx.msk [tilespmem:v7+s16+$0x0], $0xffff;
	_ =	sdelay $0x4  }
0x1bf: {  	v5 =	vadd.f32 v6, v5;
	_ =	sdelay $0x1  }
0x1c0: {  	v6 =	vmul.f32 $2.000000030e-01, v5  }
0x1c1: {  	vm14 =	vgt.f32 v5, $0.0e+00  }
0x1c2: {  	v5 =	vsel vm14, v5, v6  }
0x1c3: {  	v5 =	vmul.f32 $1.442695020e+00, v5;
	_ =	sdelay $0x1  }
0x1c4: {  	(erf) = vpow2.f32 v5;
	_ =	sdelay $0x5  }
0x1c5: {  	v4 =	vadd.s32 $0x83, v4  }
0x1c6: {  	v5 =	vor.u32 $0x3, v3;
	_ =	sdelay $0x1  }
0x1c7: {  	v3 =	vpop (erf)  }
0x1c8: {  	[tilespmem:v7+s0+$0x0] =	vst.idx.msk $0xffff, v3  }
0x1c9: {  	v3 =	vld.idx.msk [tilespmem:v4+s14+$0x0], $0xffff  }
0x1ca: {  	v4 =	vld.idx.msk [tilespmem:v5+s16+$0x0], $0xffff;
	_ =	sdelay $0x4  }
0x1cb: {  	v3 =	vadd.f32 v4, v3;
	_ =	sdelay $0x1  }
0x1cc: {  	v4 =	vmul.f32 $2.000000030e-01, v3  }
0x1cd: {  	vm15 =	vgt.f32 v3, $0.0e+00  }
0x1ce: {  	v3 =	vsel vm15, v3, v4  }
0x1cf: {  	v3 =	vmul.f32 $1.442695020e+00, v3;
	_ =	sdelay $0x1  }
0x1d0: {  	(erf) = vpow2.f32 v3;
	_ =	sdelay $0x2  }
0x1d1: {  	s15 =	simm.s32 $0x10  }
0x1d2: {  	v4 =	vor.u32 s15, v2  }
0x1d3: {  	v3 =	vmul.u32 $0x90, v4  }
0x1d4: {  	s2 =	simm.s32 $0x20;
	v4 =	vshll.u32 v4, $0x4  }
.LBB2_9:
0x1d5: {  	p0 =	sne.s32 s2, $0x40;
	v6 =	vadd.s32 $0x80, v3;
	s8 =	smov.u32 s2;
	s2 =	sadd.s32 $0x10, s2  }
0x1d6: {  	_ = 	snop  }
0x1d7: {  	v7 =	vpop (erf)  }
0x1d8: {  	[tilespmem:v5+s0+$0x0] =	vst.idx.msk $0xffff, v7  }
0x1d9: {  	v5 =	vld.idx.msk [tilespmem:v4+s16+$0x0], $0xffff  }
0x1da: {  	v6 =	vld.idx.msk [tilespmem:v6+s14+$0x0], $0xffff;
	_ =	sdelay $0x5  }
0x1db: {  	v5 =	vadd.f32 v5, v6;
	_ =	sdelay $0x1  }
0x1dc: {  	v6 =	vmul.f32 $2.000000030e-01, v5  }
0x1dd: {  	vm0 =	vgt.f32 v5, $0.0e+00  }
0x1de: {  	v5 =	vsel vm0, v5, v6  }
0x1df: {  	v5 =	vmul.f32 $1.442695020e+00, v5;
	_ =	sdelay $0x1  }
0x1e0: {  	(erf) = vpow2.f32 v5;
	_ =	sdelay $0x5  }
0x1e1: {  	v6 =	vor.u32 $0x1, v4;
	v5 =	vadd.s32 $0x81, v3;
	_ =	sdelay $0x2  }
0x1e2: {  	v7 =	vpop (erf)  }
0x1e3: {  	[tilespmem:v4+s0+$0x0] =	vst.idx.msk $0xffff, v7  }
0x1e4: {  	v5 =	vld.idx.msk [tilespmem:v5+s14+$0x0], $0xffff  }
0x1e5: {  	v7 =	vld.idx.msk [tilespmem:v6+s16+$0x0], $0xffff;
	_ =	sdelay $0x5  }
0x1e6: {  	v5 =	vadd.f32 v7, v5;
	_ =	sdelay $0x1  }
0x1e7: {  	vm0 =	vgt.f32 v5, $0.0e+00;
	v7 =	vmul.f32 $2.000000030e-01, v5;
	_ =	sdelay $0x1  }
0x1e8: {  	v5 =	vsel vm0, v5, v7  }
0x1e9: {  	v5 =	vmul.f32 $1.442695020e+00, v5;
	_ =	sdelay $0x1  }
0x1ea: {  	(erf) = vpow2.f32 v5;
	_ =	sdelay $0x5  }
0x1eb: {  	v7 =	vor.u32 $0x2, v4;
	v5 =	vadd.s32 $0x82, v3;
	_ =	sdelay $0x2  }
0x1ec: {  	v8 =	vpop (erf)  }
0x1ed: {  	[tilespmem:v6+s0+$0x0] =	vst.idx.msk $0xffff, v8  }
0x1ee: {  	v5 =	vld.idx.msk [tilespmem:v5+s14+$0x0], $0xffff  }
0x1ef: {  	v6 =	vld.idx.msk [tilespmem:v7+s16+$0x0], $0xffff;
	_ =	sdelay $0x5  }
0x1f0: {  	v5 =	vadd.f32 v6, v5;
	_ =	sdelay $0x1  }
0x1f1: {  	vm0 =	vgt.f32 v5, $0.0e+00;
	v6 =	vmul.f32 $2.000000030e-01, v5;
	_ =	sdelay $0x1  }
0x1f2: {  	v5 =	vsel vm0, v5, v6  }
0x1f3: {  	v5 =	vmul.f32 $1.442695020e+00, v5;
	_ =	sdelay $0x1  }
0x1f4: {  	(erf) = vpow2.f32 v5;
	_ =	sdelay $0x5  }
0x1f5: {  	v3 =	vadd.s32 $0x83, v3;
	v5 =	vor.u32 $0x3, v4;
	_ =	sdelay $0x2  }
0x1f6: {  	v4 =	vpop (erf)  }
0x1f7: {  	[tilespmem:v7+s0+$0x0] =	vst.idx.msk $0xffff, v4  }
0x1f8: {  	v3 =	vld.idx.msk [tilespmem:v3+s14+$0x0], $0xffff  }
0x1f9: {  	v4 =	vld.idx.msk [tilespmem:v5+s16+$0x0], $0xffff;
	_ =	sdelay $0x5  }
0x1fa: {  	v3 =	vadd.f32 v4, v3;
	_ =	sdelay $0x1  }
0x1fb: {  	vm0 =	vgt.f32 v3, $0.0e+00;
	v4 =	vmul.f32 $2.000000030e-01, v3;
	_ =	sdelay $0x1  }
0x1fc: {  	v3 =	vsel vm0, v3, v4  }
0x1fd: {  	v3 =	vmul.f32 $1.442695020e+00, v3;
	_ =	sdelay $0x1  }
0x1fe: {  	(erf) = vpow2.f32 v3;
	_ =	sdelay $0x1  }
.Ltmp3:
0x1ff: {  	(pc) =	sbr.rel @p0 .LBB2_9-.Ltmp3, $4  }
0x200: {  	_ = 	snop  }
0x201: {  	v4 =	vor.u32 s8, v2  }
0x202: {  	v3 =	vmul.u32 $0x90, v4  }
0x203: {  	v4 =	vshll.u32 v4, $0x4  }
0x204: {  	_ = 	snop  }
0x205: {  	v6 =	vadd.s32 $0x80, v3;
	_ =	sdelay $0x1  }
0x206: {  	v7 =	vpop (erf)  }
0x207: {  	[tilespmem:v5+s0+$0x0] =	vst.idx.msk $0xffff, v7  }
0x208: {  	v5 =	vld.idx.msk [tilespmem:v4+s16+$0x0], $0xffff  }
0x209: {  	v6 =	vld.idx.msk [tilespmem:v6+s14+$0x0], $0xffff;
	_ =	sdelay $0x4  }
0x20a: {  	v5 =	vadd.f32 v5, v6;
	_ =	sdelay $0x1  }
0x20b: {  	v6 =	vmul.f32 $2.000000030e-01, v5  }
0x20c: {  	vm0 =	vgt.f32 v5, $0.0e+00  }
0x20d: {  	v5 =	vsel vm0, v5, v6  }
0x20e: {  	v5 =	vmul.f32 $1.442695020e+00, v5;
	_ =	sdelay $0x1  }
0x20f: {  	(erf) = vpow2.f32 v5;
	_ =	sdelay $0x5  }
0x210: {  	v5 =	vadd.s32 $0x81, v3  }
0x211: {  	v56 =	vor.u32 $0x1, v4;
	_ =	sdelay $0x1  }
0x212: {  	s0 =	simm.s32 $0x1CC00;
	v57 =	vpop (erf)  }
0x213: {  	[tilespmem:v4+s0+$0x0] =	vst.idx.msk $0xffff, v57  }
0x214: {  	v5 =	vld.idx.msk [tilespmem:v5+s14+$0x0], $0xffff  }
0x215: {  	v7 =	vld.idx.msk [tilespmem:v56+s16+$0x0], $0xffff;
	_ =	sdelay $0x4  }
0x216: {  	v5 =	vadd.f32 v7, v5;
	_ =	sdelay $0x1  }
0x217: {  	v7 =	vmul.f32 $2.000000030e-01, v5  }
0x218: {  	vm13 =	vgt.f32 v5, $0.0e+00  }
0x219: {  	v5 =	vsel vm13, v5, v7  }
0x21a: {  	v5 =	vmul.f32 $1.442695020e+00, v5;
	_ =	sdelay $0x1  }
0x21b: {  	(erf) = vpow2.f32 v5;
	_ =	sdelay $0x5  }
0x21c: {  	v5 =	vadd.s32 $0x82, v3  }
0x21d: {  	v58 =	vor.u32 $0x2, v4;
	_ =	sdelay $0x1  }
0x21e: {  	v8 =	vpop (erf)  }
0x21f: {  	[tilespmem:v56+s0+$0x0] =	vst.idx.msk $0xffff, v8  }
0x220: {  	v5 =	vld.idx.msk [tilespmem:v5+s14+$0x0], $0xffff  }
0x221: {  	v6 =	vld.idx.msk [tilespmem:v58+s16+$0x0], $0xffff;
	_ =	sdelay $0x4  }
0x222: {  	v5 =	vadd.f32 v6, v5;
	_ =	sdelay $0x1  }
0x223: {  	v6 =	vmul.f32 $2.000000030e-01, v5  }
0x224: {  	vm14 =	vgt.f32 v5, $0.0e+00  }
0x225: {  	v5 =	vsel vm14, v5, v6  }
0x226: {  	v5 =	vmul.f32 $1.442695020e+00, v5;
	_ =	sdelay $0x1  }
0x227: {  	(erf) = vpow2.f32 v5;
	_ =	sdelay $0x5  }
0x228: {  	v3 =	vadd.s32 $0x83, v3  }
0x229: {  	v4 =	vor.u32 $0x3, v4;
	_ =	sdelay $0x1  }
0x22a: {  	v5 =	vpop (erf)  }
0x22b: {  	[tilespmem:v58+s0+$0x0] =	vst.idx.msk $0xffff, v5  }
0x22c: {  	v3 =	vld.idx.msk [tilespmem:v3+s14+$0x0], $0xffff  }
0x22d: {  	v5 =	vld.idx.msk [tilespmem:v4+s16+$0x0], $0xffff;
	_ =	sdelay $0x4  }
0x22e: {  	v3 =	vadd.f32 v5, v3;
	_ =	sdelay $0x1  }
0x22f: {  	v5 =	vmul.f32 $2.000000030e-01, v3  }
0x230: {  	vm15 =	vgt.f32 v3, $0.0e+00  }
0x231: {  	v3 =	vsel vm15, v3, v5  }
0x232: {  	v3 =	vmul.f32 $1.442695020e+00, v3;
	_ =	sdelay $0x1  }
0x233: {  	(erf) = vpow2.f32 v3;
	_ =	sdelay $0x5  }
0x234: {  	s1 =	simm.s32 $0x0  }
0x235: {  	v3 =	vmov s1;
	_ =	sdelay $0x1  }
0x236: {  	v5 =	vpop (erf)  }
0x237: {  	s2 =	simm.s32 $0x19540;
	[tilespmem:v4+s0+$0x0] =	vst.idx.msk $0xffff, v5  }
0x238: {  	v4 =	vld [tilespmem:s2+$0xFFFFFFC0]  }
0x239: {  	v5 =	vld.idx.msk [tilespmem:v3+s18+$0x0], $0xffff  }
0x23a: {  	v59 =	vld [tilespmem:s2+$0xFFFFFFD0];
	_ =	sdelay $0x2  }
0x23b: {  	v60 =	vor.u32 $0x1, v3  }
0x23c: {  	v4 =	vmul.f32 v4, v5  }
0x23d: {  	v5 =	vmul.f32 v59, v5  }
0x23e: {  	[tilespmem:s2+$0xFFFFFFC0] =	vst v4  }
0x23f: {  	[tilespmem:s2+$0xFFFFFFD0] =	vst v5;
	v5 =	vld [tilespmem:s2+$0xFFFFFFE0]  }
0x240: {  	v4 =	vld.idx.msk [tilespmem:v60+s18+$0x0], $0xffff  }
0x241: {  	v61 =	vld [tilespmem:s2+$0xFFFFFFF0];
	_ =	sdelay $0x2  }
0x242: {  	v62 =	vor.u32 $0x2, v3  }
0x243: {  	v5 =	vmul.f32 v5, v4  }
0x244: {  	v4 =	vmul.f32 v61, v4  }
0x245: {  	[tilespmem:s2+$0xFFFFFFE0] =	vst v5  }
0x246: {  	[tilespmem:s2+$0xFFFFFFF0] =	vst v4;
	v4 =	vld [tilespmem:s2+$0x0]  }
0x247: {  	v5 =	vld.idx.msk [tilespmem:v62+s18+$0x0], $0xffff  }
0x248: {  	v63 =	vld [tilespmem:s2+$0x10];
	_ =	sdelay $0x2  }
0x249: {  	v3 =	vor.u32 $0x3, v3  }
0x24a: {  	v4 =	vmul.f32 v4, v5  }
0x24b: {  	v5 =	vmul.f32 v63, v5  }
0x24c: {  	[tilespmem:s2+$0x0] =	vst v4  }
0x24d: {  	[tilespmem:s2+$0x10] =	vst v5;
	v4 =	vld [tilespmem:s2+$0x20]  }
0x24e: {  	v3 =	vld.idx.msk [tilespmem:v3+s18+$0x0], $0xffff  }
0x24f: {  	v5 =	vld [tilespmem:s2+$0x30];
	_ =	sdelay $0x3  }
0x250: {  	v4 =	vmul.f32 v4, v3  }
0x251: {  	v3 =	vmul.f32 v5, v3  }
0x252: {  	[tilespmem:s2+$0x20] =	vst v4  }
0x253: {  	[tilespmem:s2+$0x30] =	vst v3  }
0x254: {  	s10 =	simm.s32 $0x10;
	s8 =	simm.s32 $0x19540;
	s1 =	simm.s32 $0x2;
	v3 =	vld [tilespmem:s0+$0x0]  }
.LBB2_11:
0x255: {  	s0 =	sadd.s32 $0x10, s0  }
0x256: {  	v4 =	vmov s10;
	s2 =	sadd.s32 $0x90, s2;
	s10 =	smov.u32 s1;
	s9 =	sadd.s32 $0x1, s1  }
0x257: {  	p0 =	sne.s32 s1, $0x4F;
	_ =	sdelay $0x2  }
0x258: {  	v5 =	vld [tilespmem:s2+$0xFFFFFFC0];
	[tilespmem:s8+$0x40] =	vst v3;
	s8 =	smov.u32 s2  }
0x259: {  	v3 =	vld.idx.msk [tilespmem:v4+s18+$0x0], $0xffff  }
0x25a: {  	v6 =	vld [tilespmem:s2+$0xFFFFFFD0];
	_ =	sdelay $0x2  }
0x25b: {  	v7 =	vor.u32 $0x1, v4;
	_ =	sdelay $0x1  }
0x25c: {  	v5 =	vmul.f32 v5, v3;
	v3 =	vmul.f32 v6, v3;
	_ =	sdelay $0x1  }
0x25d: {  	[tilespmem:s2+$0xFFFFFFC0] =	vst v5  }
0x25e: {  	[tilespmem:s2+$0xFFFFFFD0] =	vst v3;
	v3 =	vld [tilespmem:s2+$0xFFFFFFF0]  }
0x25f: {  	v5 =	vld.idx.msk [tilespmem:v7+s18+$0x0], $0xffff  }
0x260: {  	v6 =	vld [tilespmem:s2+$0xFFFFFFE0];
	_ =	sdelay $0x1  }
0x261: {  	v7 =	vor.u32 $0x2, v4;
	_ =	sdelay $0x2  }
0x262: {  	v3 =	vmul.f32 v3, v5;
	v6 =	vmul.f32 v6, v5;
	_ =	sdelay $0x1  }
0x263: {  	[tilespmem:s2+$0xFFFFFFE0] =	vst v6  }
0x264: {  	[tilespmem:s2+$0xFFFFFFF0] =	vst v3;
	v3 =	vld [tilespmem:s2+$0x0]  }
0x265: {  	v5 =	vld.idx.msk [tilespmem:v7+s18+$0x0], $0xffff  }
0x266: {  	v6 =	vld [tilespmem:s2+$0x10]  }
0x267: {  	v4 =	vor.u32 $0x3, v4;
	_ =	sdelay $0x3  }
0x268: {  	v3 =	vmul.f32 v3, v5;
	v5 =	vmul.f32 v6, v5;
	_ =	sdelay $0x1  }
0x269: {  	[tilespmem:s2+$0x0] =	vst v3  }
0x26a: {  	[tilespmem:s2+$0x10] =	vst v5;
	v3 =	vld [tilespmem:s2+$0x20]  }
0x26b: {  	v4 =	vld.idx.msk [tilespmem:v4+s18+$0x0], $0xffff  }
0x26c: {  	v5 =	vld [tilespmem:s2+$0x30];
	_ =	sdelay $0x4  }
.Ltmp4:
0x26d: {  	v3 =	vmul.f32 v3, v4;
	v4 =	vmul.f32 v5, v4;
	(pc) =	sbr.rel @p0 .LBB2_11-.Ltmp4, $4  }
0x26e: {  	_ = 	snop  }
0x26f: {  	[tilespmem:s2+$0x20] =	vst v3  }
0x270: {  	[tilespmem:s2+$0x30] =	vst v4  }
0x271: {  	s10 =	sshll.u32 s10, $0x4;
	s1 =	smov.u32 s9;
	v3 =	vld [tilespmem:s0+$0x0]  }
0x272: {  	v4 =	vmov s10;
	_ =	sdelay $0x2  }
0x273: {  	s1 =	sadd.s32 $0x90, s2  }
0x274: {  	v5 =	vld [tilespmem:s1+$0xFFFFFFC0];
	[tilespmem:s8+$0x40] =	vst v3  }
0x275: {  	v3 =	vld.idx.msk [tilespmem:v4+s18+$0x0], $0xffff  }
0x276: {  	v6 =	vld [tilespmem:s1+$0xFFFFFFD0];
	_ =	sdelay $0x2  }
0x277: {  	v7 =	vor.u32 $0x1, v4  }
0x278: {  	v5 =	vmul.f32 v5, v3  }
0x279: {  	v3 =	vmul.f32 v6, v3  }
0x27a: {  	[tilespmem:s1+$0xFFFFFFC0] =	vst v5  }
0x27b: {  	v59 =	vld [tilespmem:s1+$0xFFFFFFE0];
	[tilespmem:s1+$0xFFFFFFD0] =	vst v3  }
0x27c: {  	v3 =	vld.idx.msk [tilespmem:v7+s18+$0x0], $0xffff  }
0x27d: {  	v60 =	vld [tilespmem:s1+$0xFFFFFFF0];
	_ =	sdelay $0x2  }
0x27e: {  	v61 =	vor.u32 $0x2, v4  }
0x27f: {  	v5 =	vmul.f32 v59, v3  }
0x280: {  	v3 =	vmul.f32 v60, v3  }
0x281: {  	[tilespmem:s1+$0xFFFFFFE0] =	vst v5  }
0x282: {  	[tilespmem:s1+$0xFFFFFFF0] =	vst v3;
	v3 =	vld [tilespmem:s1+$0x0]  }
0x283: {  	v5 =	vld.idx.msk [tilespmem:v61+s18+$0x0], $0xffff  }
0x284: {  	v62 =	vld [tilespmem:s1+$0x10];
	_ =	sdelay $0x2  }
0x285: {  	v4 =	vor.u32 $0x3, v4  }
0x286: {  	v3 =	vmul.f32 v3, v5  }
0x287: {  	v5 =	vmul.f32 v62, v5  }
0x288: {  	[tilespmem:s1+$0x0] =	vst v3  }
0x289: {  	[tilespmem:s1+$0x10] =	vst v5;
	v3 =	vld [tilespmem:s1+$0x20]  }
0x28a: {  	v4 =	vld.idx.msk [tilespmem:v4+s18+$0x0], $0xffff  }
0x28b: {  	v63 =	vld [tilespmem:s1+$0x30];
	_ =	sdelay $0x3  }
0x28c: {  	v3 =	vmul.f32 v3, v4  }
0x28d: {  	v4 =	vmul.f32 v63, v4  }
0x28e: {  	[tilespmem:s1+$0x20] =	vst v3  }
0x28f: {  	s0 =	sadd.s32 $0x10, s0;
	[tilespmem:s1+$0x30] =	vst v4  }
0x290: {  	v3 =	vld [tilespmem:s0+$0x0];
	_ =	sdelay $0x2  }
0x291: {  	s4 =	sadd.s32 $0x1, s4  }
0x292: {  	p0 =	sne.s32 s4, $0x7D  }
.Ltmp5:
0x293: {  	[tilespmem:s1+$0x40] =	vst v3;
	(pc) =	sbr.rel @p0 .LBB2_4-.Ltmp5, $4  }
0x294: {  	[spmem:s3] =	stream.indirect.scatter.add.f32 [tilespmem:s14], [sflag:$0x3], $0x90, s13, s31, $0xb8;
	[tilespmem:$0x1F4E0] =	vst v63  }
0x295: {  	_ =	swait.ge [sflag:s28], $0x2D00  }
0x296: {  	[sflag:s28] =	ssyncset.done $0x0  }
0x297: {  	[sflag:s28] =	ssyncadd.s32 $0xFFFFD300  }
0x298: {  	_ =	swait.ge [sflag:s17], $0x2D00  }
0x299: {  	[sflag:s17] =	ssyncset.done $0x0  }
0x29a: {  	[sflag:s17] =	ssyncadd.s32 $0xFFFFD300  }
0x29b: {  	_ =	swait.ge [sflag:s17], $0x500  }
0x29c: {  	[sflag:s17] =	ssyncset.done $0x0  }
0x29d: {  	[sflag:s17] =	ssyncadd.s32 $0xFFFFFB00  }
0x29e: {  	s4 =	simm.s32 $0x0;
	[bflag:$0x0] =	sbarrier.arrive $0xFFFF  }
0x29f: {  	s11 =	simm.s32 $0x0;
	s9 =	simm.s32 $0x0;
	s10 =	rddreg [dreg:$0x4]  }
.LBB2_14:
0x2a0: {  	s0 =	sshll.u32 s11, $0x5;
	s1 =	rddreg [dreg:$0x6]  }
0x2a1: {  	s15 =	sadd.s32 s1, s0  }
0x2a2: {  	s0 =	smul.u32 $0x240, s15;
	_ =	sdelay $0x1  }
0x2a3: {  	s0 =	sshra.s32 s0, $0x2  }
0x2a4: {  	s0 =	sadd.s32 s0, s3  }
0x2a5: {  	v3 =	vmov s4;
	[tilespmem:s21], [sflag:$0x3] =	stream.linear.gather [spmem:s0], $0x1200, $0x38;
	[tilespmem:$0x1F4E0] =	vst v63  }
0x2a6: {  	v3 =	vmul.u32 $0x90, v3;
	_ =	swait.ge [sflag:s28], $0x1200  }
0x2a7: {  	s2 =	rddreg [dreg:$0x12]  }
0x2a8: {  	v3 =	vadd.s32 $0x80, v3;
	s0 =	sadd.s32 s2, s15  }
0x2a9: {  	v3 =	vbroadcast v3, $0x0;
	[sflag:s28] =	ssyncset.done $0x0;
	s0 =	sshll.u32 s0, $0x4  }
0x2aa: {  	[sflag:s28] =	ssyncadd.s32 $0xFFFFEE00;
	s0 =	sadd.s32 s10, s0  }
0x2ab: {  	[tilespmem:s24], [sflag:$0x3] =	stream.linear.gather [hbm4b:s0+s4], $0x1000, $0x38;
	[tilespmem:$0x1F4E0] =	vst v63  }
0x2ac: {  	_ =	swait.ge [sflag:s28], $0x1000  }
0x2ad: {  	[sflag:s28] =	ssyncset.done $0x0  }
0x2ae: {  	[sflag:s28] =	ssyncadd.s32 $0xFFFFF000  }
0x2af: {  	v4 =	vld.idx.msk [tilespmem:v3+s21+$0x0], $0xffff;
	_ =	sdelay $0x4  }
0x2b0: {  	v4 =	vadd.f32 $9.999999710e-10, v4;
	_ =	sdelay $0x1  }
0x2b1: {  	(erf) = vrcp.f32 v4;
	_ =	sdelay $0x3  }
0x2b2: {  	s2 =	simm.s32 $0x1D320  }
0x2b3: {  	v4 =	vld [tilespmem:s2+$0xFFFFFFC0]  }
0x2b4: {  	s0 =	simm.s32 $0x1E520  }
0x2b5: {  	v5 =	vld [tilespmem:s0+$0xFFFFFFC0];
	_ =	sdelay $0x1  }
0x2b6: {  	v6 =	vpop (erf)  }
0x2b7: {  	v4 =	vmul.f32 v6, v4;
	_ =	sdelay $0x1  }
0x2b8: {  	v4 =	vadd.f32 v4, v5;
	_ =	sdelay $0x1  }
0x2b9: {  	[tilespmem:s0+$0xFFFFFFC0] =	vst v4  }
0x2ba: {  	v4 =	vld [tilespmem:s2+$0xFFFFFFD0];
	_ =	sdelay $0x1  }
0x2bb: {  	v5 =	vld [tilespmem:s0+$0xFFFFFFD0];
	_ =	sdelay $0x2  }
0x2bc: {  	v4 =	vmul.f32 v4, v6;
	v6 =	vor.u32 $0x1, v3;
	_ =	sdelay $0x1  }
0x2bd: {  	v4 =	vadd.f32 v5, v4;
	_ =	sdelay $0x1  }
0x2be: {  	[tilespmem:s0+$0xFFFFFFD0] =	vst v4  }
0x2bf: {  	v4 =	vld.idx.msk [tilespmem:v6+s21+$0x0], $0xffff;
	_ =	sdelay $0x4  }
0x2c0: {  	v4 =	vadd.f32 $9.999999710e-10, v4;
	_ =	sdelay $0x1  }
0x2c1: {  	(erf) = vrcp.f32 v4;
	_ =	sdelay $0x4  }
0x2c2: {  	v4 =	vld [tilespmem:s2+$0xFFFFFFE0];
	_ =	sdelay $0x1  }
0x2c3: {  	v5 =	vld [tilespmem:s0+$0xFFFFFFE0];
	_ =	sdelay $0x1  }
0x2c4: {  	v6 =	vpop (erf)  }
0x2c5: {  	v4 =	vmul.f32 v6, v4;
	_ =	sdelay $0x1  }
0x2c6: {  	v4 =	vadd.f32 v4, v5;
	_ =	sdelay $0x1  }
0x2c7: {  	[tilespmem:s0+$0xFFFFFFE0] =	vst v4  }
0x2c8: {  	v4 =	vld [tilespmem:s2+$0xFFFFFFF0];
	_ =	sdelay $0x1  }
0x2c9: {  	v5 =	vld [tilespmem:s0+$0xFFFFFFF0];
	_ =	sdelay $0x2  }
0x2ca: {  	v4 =	vmul.f32 v4, v6;
	v6 =	vor.u32 $0x2, v3;
	_ =	sdelay $0x1  }
0x2cb: {  	v4 =	vadd.f32 v5, v4;
	_ =	sdelay $0x1  }
0x2cc: {  	[tilespmem:s0+$0xFFFFFFF0] =	vst v4  }
0x2cd: {  	v4 =	vld.idx.msk [tilespmem:v6+s21+$0x0], $0xffff;
	_ =	sdelay $0x4  }
0x2ce: {  	v4 =	vadd.f32 $9.999999710e-10, v4;
	_ =	sdelay $0x1  }
0x2cf: {  	(erf) = vrcp.f32 v4;
	_ =	sdelay $0x4  }
0x2d0: {  	v4 =	vld [tilespmem:s2+$0x0];
	_ =	sdelay $0x1  }
0x2d1: {  	v5 =	vld [tilespmem:s0+$0x0];
	_ =	sdelay $0x1  }
0x2d2: {  	v6 =	vpop (erf)  }
0x2d3: {  	v4 =	vmul.f32 v6, v4;
	_ =	sdelay $0x1  }
0x2d4: {  	v4 =	vadd.f32 v4, v5;
	_ =	sdelay $0x1  }
0x2d5: {  	[tilespmem:s0+$0x0] =	vst v4  }
0x2d6: {  	v4 =	vld [tilespmem:s2+$0x10];
	_ =	sdelay $0x1  }
0x2d7: {  	v5 =	vld [tilespmem:s0+$0x10];
	_ =	sdelay $0x2  }
0x2d8: {  	v3 =	vor.u32 $0x3, v3;
	v4 =	vmul.f32 v4, v6;
	_ =	sdelay $0x1  }
0x2d9: {  	v4 =	vadd.f32 v5, v4;
	_ =	sdelay $0x1  }
0x2da: {  	[tilespmem:s0+$0x10] =	vst v4  }
0x2db: {  	v3 =	vld.idx.msk [tilespmem:v3+s21+$0x0], $0xffff;
	_ =	sdelay $0x4  }
0x2dc: {  	v3 =	vadd.f32 $9.999999710e-10, v3;
	_ =	sdelay $0x1  }
0x2dd: {  	(erf) = vrcp.f32 v3;
	_ =	sdelay $0x4  }
0x2de: {  	v3 =	vld [tilespmem:s2+$0x20];
	_ =	sdelay $0x1  }
0x2df: {  	v5 =	vld [tilespmem:s0+$0x20];
	_ =	sdelay $0x1  }
0x2e0: {  	v4 =	vpop (erf)  }
0x2e1: {  	v3 =	vmul.f32 v4, v3;
	_ =	sdelay $0x1  }
0x2e2: {  	v3 =	vadd.f32 v3, v5;
	_ =	sdelay $0x1  }
0x2e3: {  	s8 =	simm.s32 $0x1;
	[tilespmem:s0+$0x20] =	vst v3  }
0x2e4: {  	v3 =	vmov s8;
	s8 =	simm.s32 $0x2;
	v5 =	vld [tilespmem:s2+$0x30]  }
.LBB2_15:
0x2e5: {  	p0 =	sne.s32 s8, $0x1F;
	v3 =	vmul.u32 $0x90, v3  }
0x2e6: {  	v6 =	vld [tilespmem:s0+$0x30]  }
0x2e7: {  	v3 =	vadd.s32 $0x80, v3  }
0x2e8: {  	v3 =	vbroadcast v3, $0x0  }
0x2e9: {  	v4 =	vmul.f32 v5, v4;
	_ =	sdelay $0x1  }
0x2ea: {  	v4 =	vadd.f32 v6, v4;
	_ =	sdelay $0x1  }
0x2eb: {  	[tilespmem:s0+$0x30] =	vst v4  }
0x2ec: {  	s2 =	sadd.s32 $0x90, s2;
	v4 =	vld.idx.msk [tilespmem:v3+s21+$0x0], $0xffff  }
0x2ed: {  	v5 =	vld [tilespmem:s2+$0xFFFFFFC0];
	_ =	sdelay $0x4  }
0x2ee: {  	v4 =	vadd.f32 $9.999999710e-10, v4;
	_ =	sdelay $0x1  }
0x2ef: {  	(erf) = vrcp.f32 v4;
	_ =	sdelay $0x5  }
0x2f0: {  	s0 =	sadd.s32 $0x80, s0  }
0x2f1: {  	v4 =	vld [tilespmem:s0+$0xFFFFFFC0];
	_ =	sdelay $0x1  }
0x2f2: {  	v6 =	vpop (erf)  }
0x2f3: {  	v5 =	vmul.f32 v6, v5;
	_ =	sdelay $0x1  }
0x2f4: {  	v4 =	vadd.f32 v5, v4;
	_ =	sdelay $0x1  }
0x2f5: {  	[tilespmem:s0+$0xFFFFFFC0] =	vst v4  }
0x2f6: {  	v4 =	vld [tilespmem:s2+$0xFFFFFFD0];
	_ =	sdelay $0x1  }
0x2f7: {  	v5 =	vld [tilespmem:s0+$0xFFFFFFD0];
	_ =	sdelay $0x2  }
0x2f8: {  	v4 =	vmul.f32 v4, v6;
	v6 =	vor.u32 $0x1, v3;
	_ =	sdelay $0x1  }
0x2f9: {  	v4 =	vadd.f32 v5, v4;
	_ =	sdelay $0x1  }
0x2fa: {  	[tilespmem:s0+$0xFFFFFFD0] =	vst v4  }
0x2fb: {  	v4 =	vld.idx.msk [tilespmem:v6+s21+$0x0], $0xffff;
	_ =	sdelay $0x5  }
0x2fc: {  	v4 =	vadd.f32 $9.999999710e-10, v4;
	_ =	sdelay $0x1  }
0x2fd: {  	(erf) = vrcp.f32 v4;
	_ =	sdelay $0x4  }
0x2fe: {  	v4 =	vld [tilespmem:s2+$0xFFFFFFE0];
	_ =	sdelay $0x1  }
0x2ff: {  	v5 =	vld [tilespmem:s0+$0xFFFFFFE0];
	_ =	sdelay $0x1  }
0x300: {  	v6 =	vpop (erf)  }
0x301: {  	v4 =	vmul.f32 v6, v4;
	_ =	sdelay $0x1  }
0x302: {  	v4 =	vadd.f32 v4, v5;
	_ =	sdelay $0x1  }
0x303: {  	[tilespmem:s0+$0xFFFFFFE0] =	vst v4  }
0x304: {  	v4 =	vld [tilespmem:s2+$0xFFFFFFF0];
	_ =	sdelay $0x1  }
0x305: {  	v5 =	vld [tilespmem:s0+$0xFFFFFFF0];
	_ =	sdelay $0x2  }
0x306: {  	v4 =	vmul.f32 v4, v6;
	v6 =	vor.u32 $0x2, v3;
	_ =	sdelay $0x1  }
0x307: {  	v4 =	vadd.f32 v5, v4;
	_ =	sdelay $0x1  }
0x308: {  	[tilespmem:s0+$0xFFFFFFF0] =	vst v4  }
0x309: {  	v4 =	vld.idx.msk [tilespmem:v6+s21+$0x0], $0xffff;
	_ =	sdelay $0x5  }
0x30a: {  	v4 =	vadd.f32 $9.999999710e-10, v4;
	_ =	sdelay $0x1  }
0x30b: {  	(erf) = vrcp.f32 v4;
	_ =	sdelay $0x4  }
0x30c: {  	v4 =	vld [tilespmem:s2+$0x0];
	_ =	sdelay $0x1  }
0x30d: {  	v5 =	vld [tilespmem:s0+$0x0];
	_ =	sdelay $0x1  }
0x30e: {  	v6 =	vpop (erf)  }
0x30f: {  	v4 =	vmul.f32 v6, v4;
	_ =	sdelay $0x1  }
0x310: {  	v4 =	vadd.f32 v4, v5;
	_ =	sdelay $0x1  }
0x311: {  	[tilespmem:s0+$0x0] =	vst v4  }
0x312: {  	v4 =	vld [tilespmem:s2+$0x10];
	_ =	sdelay $0x1  }
0x313: {  	v5 =	vld [tilespmem:s0+$0x10];
	_ =	sdelay $0x2  }
0x314: {  	v3 =	vor.u32 $0x3, v3;
	v4 =	vmul.f32 v4, v6;
	_ =	sdelay $0x1  }
0x315: {  	v4 =	vadd.f32 v5, v4;
	_ =	sdelay $0x1  }
0x316: {  	[tilespmem:s0+$0x10] =	vst v4  }
0x317: {  	v3 =	vld.idx.msk [tilespmem:v3+s21+$0x0], $0xffff;
	_ =	sdelay $0x5  }
0x318: {  	v3 =	vadd.f32 $9.999999710e-10, v3;
	_ =	sdelay $0x1  }
0x319: {  	(erf) = vrcp.f32 v3;
	_ =	sdelay $0x4  }
0x31a: {  	v3 =	vld [tilespmem:s2+$0x20];
	_ =	sdelay $0x1  }
0x31b: {  	v5 =	vld [tilespmem:s0+$0x20];
	_ =	sdelay $0x1  }
0x31c: {  	v4 =	vpop (erf)  }
0x31d: {  	v3 =	vmul.f32 v4, v3  }
.Ltmp6:
0x31e: {  	(pc) =	sbr.rel @p0 .LBB2_15-.Ltmp6, $3  }
0x31f: {  	v3 =	vadd.f32 v3, v5;
	_ =	sdelay $0x1  }
0x320: {  	[tilespmem:s0+$0x20] =	vst v3  }
0x321: {  	v3 =	vmov s8;
	s8 =	sadd.s32 $0x1, s8;
	v5 =	vld [tilespmem:s2+$0x30]  }
0x322: {  	v3 =	vmul.u32 $0x90, v3  }
0x323: {  	v6 =	vld [tilespmem:s0+$0x30]  }
0x324: {  	v3 =	vadd.s32 $0x80, v3  }
0x325: {  	v3 =	vbroadcast v3, $0x0  }
0x326: {  	v4 =	vmul.f32 v5, v4;
	_ =	sdelay $0x1  }
0x327: {  	v4 =	vadd.f32 v6, v4;
	_ =	sdelay $0x1  }
0x328: {  	[tilespmem:s0+$0x30] =	vst v4  }
0x329: {  	v4 =	vld.idx.msk [tilespmem:v3+s21+$0x0], $0xffff;
	_ =	sdelay $0x4  }
0x32a: {  	v4 =	vadd.f32 $9.999999710e-10, v4;
	_ =	sdelay $0x1  }
0x32b: {  	(erf) = vrcp.f32 v4;
	_ =	sdelay $0x3  }
0x32c: {  	s1 =	sadd.s32 $0x90, s2  }
0x32d: {  	v47 =	vld [tilespmem:s1+$0xFFFFFFC0]  }
0x32e: {  	s2 =	sadd.s32 $0x80, s0  }
0x32f: {  	v48 =	vld [tilespmem:s2+$0xFFFFFFC0];
	_ =	sdelay $0x1  }
0x330: {  	v49 =	vpop (erf)  }
0x331: {  	v4 =	vmul.f32 v49, v47;
	_ =	sdelay $0x1  }
0x332: {  	v4 =	vadd.f32 v4, v48;
	_ =	sdelay $0x1  }
0x333: {  	[tilespmem:s2+$0xFFFFFFC0] =	vst v4  }
0x334: {  	v4 =	vld [tilespmem:s1+$0xFFFFFFD0];
	_ =	sdelay $0x1  }
0x335: {  	v50 =	vld [tilespmem:s2+$0xFFFFFFD0];
	_ =	sdelay $0x2  }
0x336: {  	v51 =	vor.u32 $0x1, v3;
	v4 =	vmul.f32 v4, v49;
	_ =	sdelay $0x1  }
0x337: {  	v4 =	vadd.f32 v50, v4;
	_ =	sdelay $0x1  }
0x338: {  	[tilespmem:s2+$0xFFFFFFD0] =	vst v4  }
0x339: {  	v4 =	vld.idx.msk [tilespmem:v51+s21+$0x0], $0xffff;
	_ =	sdelay $0x4  }
0x33a: {  	v4 =	vadd.f32 $9.999999710e-10, v4;
	_ =	sdelay $0x1  }
0x33b: {  	(erf) = vrcp.f32 v4;
	_ =	sdelay $0x4  }
0x33c: {  	v52 =	vld [tilespmem:s1+$0xFFFFFFE0];
	_ =	sdelay $0x1  }
0x33d: {  	v53 =	vld [tilespmem:s2+$0xFFFFFFE0];
	_ =	sdelay $0x1  }
0x33e: {  	v54 =	vpop (erf)  }
0x33f: {  	v4 =	vmul.f32 v54, v52;
	_ =	sdelay $0x1  }
0x340: {  	v4 =	vadd.f32 v4, v53;
	_ =	sdelay $0x1  }
0x341: {  	[tilespmem:s2+$0xFFFFFFE0] =	vst v4  }
0x342: {  	v4 =	vld [tilespmem:s1+$0xFFFFFFF0];
	_ =	sdelay $0x1  }
0x343: {  	v55 =	vld [tilespmem:s2+$0xFFFFFFF0];
	_ =	sdelay $0x2  }
0x344: {  	v56 =	vor.u32 $0x2, v3;
	v4 =	vmul.f32 v4, v54;
	_ =	sdelay $0x1  }
0x345: {  	v4 =	vadd.f32 v55, v4;
	_ =	sdelay $0x1  }
0x346: {  	[tilespmem:s2+$0xFFFFFFF0] =	vst v4  }
0x347: {  	v4 =	vld.idx.msk [tilespmem:v56+s21+$0x0], $0xffff;
	_ =	sdelay $0x4  }
0x348: {  	v4 =	vadd.f32 $9.999999710e-10, v4;
	_ =	sdelay $0x1  }
0x349: {  	(erf) = vrcp.f32 v4;
	_ =	sdelay $0x4  }
0x34a: {  	v57 =	vld [tilespmem:s1+$0x0];
	_ =	sdelay $0x1  }
0x34b: {  	v58 =	vld [tilespmem:s2+$0x0];
	_ =	sdelay $0x1  }
0x34c: {  	v59 =	vpop (erf)  }
0x34d: {  	v4 =	vmul.f32 v59, v57;
	_ =	sdelay $0x1  }
0x34e: {  	v4 =	vadd.f32 v4, v58;
	_ =	sdelay $0x1  }
0x34f: {  	[tilespmem:s2+$0x0] =	vst v4  }
0x350: {  	v4 =	vld [tilespmem:s1+$0x10];
	_ =	sdelay $0x1  }
0x351: {  	v60 =	vld [tilespmem:s2+$0x10];
	_ =	sdelay $0x2  }
0x352: {  	v3 =	vor.u32 $0x3, v3;
	v4 =	vmul.f32 v4, v59;
	_ =	sdelay $0x1  }
0x353: {  	v4 =	vadd.f32 v60, v4;
	_ =	sdelay $0x1  }
0x354: {  	[tilespmem:s2+$0x10] =	vst v4  }
0x355: {  	v3 =	vld.idx.msk [tilespmem:v3+s21+$0x0], $0xffff;
	_ =	sdelay $0x4  }
0x356: {  	v3 =	vadd.f32 $9.999999710e-10, v3;
	_ =	sdelay $0x1  }
0x357: {  	(erf) = vrcp.f32 v3;
	_ =	sdelay $0x4  }
0x358: {  	v3 =	vld [tilespmem:s1+$0x20];
	_ =	sdelay $0x1  }
0x359: {  	v61 =	vld [tilespmem:s2+$0x20];
	_ =	sdelay $0x1  }
0x35a: {  	v62 =	vpop (erf)  }
0x35b: {  	v3 =	vmul.f32 v62, v3;
	_ =	sdelay $0x1  }
0x35c: {  	v3 =	vadd.f32 v3, v61;
	_ =	sdelay $0x1  }
0x35d: {  	[tilespmem:s2+$0x20] =	vst v3  }
0x35e: {  	v3 =	vld [tilespmem:s1+$0x30];
	_ =	sdelay $0x1  }
0x35f: {  	v63 =	vld [tilespmem:s2+$0x30];
	_ =	sdelay $0x2  }
0x360: {  	v3 =	vmul.f32 v3, v62  }
0x361: {  	s8 =	rddreg [dreg:$0x11]  }
0x362: {  	s11 =	sadd.s32 $0x1, s11;
	s1 =	sadd.s32 s8, s15;
	v3 =	vadd.f32 v63, v3  }
0x363: {  	p0 =	sne.s32 s11, $0x14;
	s15 =	rddreg [dreg:$0x5];
	s1 =	sshll.u32 s1, $0x4  }
.Ltmp7:
0x364: {  	s0 =	sadd.s32 s15, s1;
	[tilespmem:s2+$0x30] =	vst v3;
	(pc) =	sbr.rel @p0 .LBB2_14-.Ltmp7, $4  }
0x365: {  	[hbm4b:s0+s9] =	stream.linear.scatter [tilespmem:s24], [sflag:$0x3], $0x1000, $0x38;
	[tilespmem:$0x1F4E0] =	vst v63  }
0x366: {  	_ =	swait.ge [sflag:s28], $0x1000  }
0x367: {  	[sflag:s28] =	ssyncset.done $0x0  }
0x368: {  	[sflag:s28] =	ssyncadd.s32 $0xFFFFF000  }
0x369: {  	s1 =	rddreg [dreg:$0x14]  }
0x36a: {  	s0 =	rddreg [dreg:$0x13];
	s1 =	sadd.s32 $0x1, s1  }
0x36b: {  	p0 =	sne.s32 s1, s0  }
.Ltmp8:
0x36c: {  	_ = 	snop;
	(pc) =	sbr.rel @p0 .LBB2_1-.Ltmp8, $1  }
0x36d: {  	_ =	sdelay $0x3  }
0x36e: {  	_ =	sfence.sel $0x180000  }
0x36f: {  	[bflag:$0x0] =	sbarrier.arrive $0xFFFF  }
0x370: {  	_ =	strace $0x90000047  }
0x371: {  	s0 =	stileid.u32;
	[bflag:$0x2] =	sbarrier.arrive $0xFFFF  }
0x372: {  	p0 =	sne.s32 s0, $0x0;
	s0 =	rddreg [dreg:$0x3]  }
0x373: {  	s0 =	sadd.s32 @!p0 $0x100000, s0  }
0x374: {  	[sflag:s0] =	ssyncadd.tile.s32 @!p0 $0x1;
	_ =	shalt  }
.Lfunc_end2:
_tile_overlayer_lowered:
.L_overlay_start_2:
0x375: {  	(tag) =	ssettag $0x2  }
0x376: {  	s0 =	rddreg [dreg:$0x0];
	s2 =	stileid.u32  }
0x377: {  	s1 =	rddreg [dreg:$0x1];
	p0 =	sne.s32 s2, $0x0  }
0x378: {  	s3 =	rddreg [dreg:$0x2];
	[bflag:$0x3] =	sbarrier.arrive $0xFFFF;
	s2 =	simm.s32 @!p0 $0x1C03  }
0x379: {  	[timem:s3], [sflag:s2] =	dma.local @!p0 [hbm:s0], s1  }
0x37a: {  	s0 =	simm.s32 @!p0 $0x3  }
0x37b: {  	_ =	swait.ge @!p0 [sflag:s0], s1  }
0x37c: {  	s1 =	ssub.s32 @!p0 $0x0, s1;
	[sflag:s0] =	ssyncset.done @!p0 $0x0  }
0x37d: {  	[sflag:s0] =	ssyncadd.s32 @!p0 s1  }
0x37e: {  	[bflag:$0x3] =	sbarrier.arrive $0xFFFF  }
0x37f: {  	_ =	shalt  }

</sc_bundles>
